<compile_context>
chip_gen: v7x
topology: tpu7x:2x2x1
jax: 0.10.2.dev20260603
libtpu: 0.0.44.dev20260713+nightly
codegen_flags: <defaults>
</compile_context>

<pallas_src>
import jax
import jax.numpy as jnp
from jax import lax
from jax.experimental import pallas as pl
from jax.experimental.pallas import tpu as pltpu
from jax.experimental.pallas import tpu_sc as plsc

_N, _E, _H, _HN = 10000, 320000, 128, 144
_BE = 2560
_BN = 2000
_NC, _NS = 2, 16
_EPW = _E // (_NC * _NS)
_C = 80
_NCH = _EPW // _C
_RPS = 624
_RLAST = _N - 15 * _RPS


def _gelu(x):
    return x * 0.5 * (1.0 + lax.erf(x * 0.7071067811865476))



def _edge_mlp_body(het_ref, w_ref, b_ref, out_ref):
    x = lax.dot_general(het_ref[...], w_ref[...], (((0,), (0,)), ((), ())),
                        preferred_element_type=jnp.float32)
    out_ref[...] = _gelu(x + b_ref[...])


def _edge_mlp(h_E_T, W, b):
    return pl.pallas_call(
        _edge_mlp_body,
        grid=(_E // _BE,),
        in_specs=[
            pl.BlockSpec((_HN, _BE), lambda i: (0, i)),
            pl.BlockSpec((_HN, _H), lambda i: (0, 0)),
            pl.BlockSpec((1, _H), lambda i: (0, 0)),
        ],
        out_specs=pl.BlockSpec((_BE, _H), lambda i: (i, 0)),
        out_shape=jax.ShapeDtypeStruct((_E, _H), jnp.float32),
    )(h_E_T, W, b.reshape(1, _H))



def _scatter_body(msg_hbm, idx_hbm, out_hbm,
                  rows0, rows1, rows2, rows3, idx0, idx1, idx2, idx3, acc_sh,
                  rsem0, rsem1, rsem2, rsem3, isem0, isem1, isem2, isem3,
                  ssem0, ssem1, ssem2, ssem3, zsem):
    c = lax.axis_index("c")
    s = lax.axis_index("s")
    r0 = pl.multiple_of(s * _RPS, 8)
    base = (s * _NC + c) * _EPW
    rows = (rows0, rows1, rows2, rows3)
    idxs = (idx0, idx1, idx2, idx3)
    rsems = (rsem0, rsem1, rsem2, rsem3)
    isems = (isem0, isem1, isem2, isem3)
    ssems = (ssem0, ssem1, ssem2, ssem3)

    def start_load(k, b):
        off = pl.multiple_of(base + k * _C, 8)
        pltpu.async_copy(msg_hbm.at[pl.ds(off, _C)], rows[b], rsems[b])
        pltpu.async_copy(idx_hbm.at[pl.ds(off, _C)], idxs[b], isems[b])

    def wait_scatter(b):
        pltpu.make_async_copy(rows[b], acc_sh.at[idxs[b]], ssems[b]).wait()

    def step(k, b, first=False, load=True):
        if not first:
            wait_scatter((b + 2) % 4)
        if load:
            if isinstance(k, int):
                start_load(k + 2, (b + 2) % 4)
            else:
                @pl.when(k + 2 < _NCH)
                def _():
                    start_load(k + 2, (b + 2) % 4)
        pltpu.make_async_copy(msg_hbm.at[pl.ds(0, _C)], rows[b],
                              rsems[b]).wait()
        pltpu.make_async_copy(idx_hbm.at[pl.ds(0, _C)], idxs[b],
                              isems[b]).wait()
        pltpu.async_copy(rows[b], acc_sh.at[idxs[b]], ssems[b], add=True)

    start_load(0, 0)
    start_load(1, 1)

    def zrow(r, carry):
        for q in range(8):
            rows3[r, pl.ds(q * 16, 16)] = jnp.zeros((16,), jnp.float32)
        return carry

    lax.fori_loop(0, _C, zrow, 0)
    for t in range(7):
        pltpu.async_copy(
            rows3, acc_sh.at[pl.ds(pl.multiple_of(r0 + t * _C, 8), _C)],
            zsem)

    @pl.when(s < _NS - 1)
    def _():
        pltpu.async_copy(rows3.at[pl.ds(0, _RPS - 7 * _C)],
                         acc_sh.at[pl.ds(pl.multiple_of(r0 + 7 * _C, 8),
                                         _RPS - 7 * _C)], zsem)

    @pl.when(s == _NS - 1)
    def _():
        pltpu.async_copy(rows3,
                         acc_sh.at[pl.ds(pl.multiple_of(r0 + 7 * _C, 8),
                                         _C)], zsem)

    for t in range(7):
        pltpu.make_async_copy(rows3, acc_sh.at[pl.ds(0, _C)], zsem).wait()

    @pl.when(s < _NS - 1)
    def _():
        pltpu.make_async_copy(rows3.at[pl.ds(0, _RPS - 7 * _C)],
                              acc_sh.at[pl.ds(0, _RPS - 7 * _C)],
                              zsem).wait()

    @pl.when(s == _NS - 1)
    def _():
        pltpu.make_async_copy(rows3, acc_sh.at[pl.ds(0, _C)], zsem).wait()

    plsc.subcore_barrier()

    step(0, 0, first=True)
    step(1, 1, first=True)
    step(2, 2)
    step(3, 3)

    def body(j, carry):
        k = 4 * j
        for r in range(4):
            step(k + r, r)
        return carry

    lax.fori_loop(1, 31, body, 0)
    step(124, 0, load=False)
    wait_scatter(3)
    wait_scatter(0)
    plsc.subcore_barrier()

    @pl.when(s < _NS - 1)
    def _():
        pltpu.sync_copy(acc_sh.at[pl.ds(r0, _RPS)],
                        out_hbm.at[c, pl.ds(r0, _RPS)])

    @pl.when(s == _NS - 1)
    def _():
        pltpu.sync_copy(acc_sh.at[pl.ds(r0, _RLAST)],
                        out_hbm.at[c, pl.ds(r0, _RLAST)])


def _scatter(msg, src_idx):
    f = pl.kernel(
        _scatter_body,
        out_type=jax.ShapeDtypeStruct((_NC, _N, _H), jnp.float32),
        mesh=plsc.VectorSubcoreMesh(core_axis_name="c", subcore_axis_name="s"),
        scratch_types=(
            [pltpu.VMEM((_C, _H), jnp.float32) for _ in range(4)]
            + [pltpu.VMEM((_C,), jnp.int32) for _ in range(4)]
            + [pltpu.VMEM_SHARED((_N, _H), jnp.float32)]
            + [pltpu.SemaphoreType.DMA] * 13
        ),
    )
    return f(msg, src_idx)



def _final_body(hv_ref, p0_ref, p1_ref, wd_ref, bd_ref, wo_ref, bo_ref,
                ln1w_ref, ln1b_ref, ln2w_ref, ln2b_ref, out_ref):
    x = hv_ref[...] + (p0_ref[...] + p1_ref[...]) * (1.0 / 30.0)
    mu = jnp.mean(x, axis=-1, keepdims=True)
    xc = x - mu
    var = jnp.mean(xc * xc, axis=-1, keepdims=True)
    xn = xc * lax.rsqrt(var + 1e-5) * ln1w_ref[...] + ln1b_ref[...]
    h = _gelu(jnp.dot(xn, wd_ref[...], preferred_element_type=jnp.float32)
              + bd_ref[...])
    y = xn + jnp.dot(h, wo_ref[...], preferred_element_type=jnp.float32) \
        + bo_ref[...]
    mu2 = jnp.mean(y, axis=-1, keepdims=True)
    yc = y - mu2
    var2 = jnp.mean(yc * yc, axis=-1, keepdims=True)
    out_ref[...] = yc * lax.rsqrt(var2 + 1e-5) * ln2w_ref[...] + ln2b_ref[...]


def _final(h_V, p0, p1, W_d0, b_d0, W_out, b_out, ln1_w, ln1_b, ln2_w, ln2_b):
    row = pl.BlockSpec((_BN, _H), lambda i: (i, 0))
    full = pl.BlockSpec((_H, _H), lambda i: (0, 0))
    vec = pl.BlockSpec((1, _H), lambda i: (0, 0))
    return pl.pallas_call(
        _final_body,
        grid=(_N // _BN,),
        in_specs=[row, row, row, full, vec, full, vec, vec, vec, vec, vec],
        out_specs=row,
        out_shape=jax.ShapeDtypeStruct((_N, _H), jnp.float32),
    )(h_V, p0, p1, W_d0, b_d0.reshape(1, _H), W_out, b_out.reshape(1, _H),
      ln1_w.reshape(1, _H), ln1_b.reshape(1, _H),
      ln2_w.reshape(1, _H), ln2_b.reshape(1, _H))


def kernel(h_V, h_E, edge_idx, W_msg0, b_msg0, W_d0, b_d0, W_out, b_out,
           ln1_w, ln1_b, ln2_w, ln2_b):
    msg = _edge_mlp(h_E.T, W_msg0, b_msg0)
    partials = _scatter(msg, edge_idx[0])
    return _final(h_V, partials[0], partials[1], W_d0, b_d0, W_out, b_out,
                  ln1_w, ln1_b, ln2_w, ln2_b)

# --- scband reference (transcript-rebuilt; emitter-appended) ---
"""Pipeline reference for scband-mpnnlayer-39307540692996 (READ-ONLY COPY).

The authoritative reference and input builder live on the scoring server;
editing this copy changes nothing except your own understanding.
"""

import jax, jax.numpy as jnp
import numpy as np


def _layer_norm(x, w, b, eps=1e-5):
    mu = jnp.mean(x, axis=-1, keepdims=True)
    var = jnp.var(x, axis=-1, keepdims=True)
    return (x - mu) / jnp.sqrt(var + eps) * w + b


def setup_inputs(seed: int = 0) -> dict:
    key = jax.random.key(seed)
    ks = jax.random.split(key, 8)
    N, E, H, NIN, DD = 10000, 320000, 128, 16, 128
    h_V = jax.random.normal(ks[0], (N, H), dtype=jnp.float32)
    h_E = jax.random.normal(ks[1], (E, H + NIN), dtype=jnp.float32)
    edge_idx = jax.random.randint(ks[2], (2, E), 0, N, dtype=jnp.int32)
    W_msg0 = jax.random.normal(ks[3], (H + NIN, H), dtype=jnp.float32) * 0.05
    b_msg0 = jnp.zeros((H,), dtype=jnp.float32)
    W_d0 = jax.random.normal(ks[4], (H, DD), dtype=jnp.float32) * 0.05
    b_d0 = jnp.zeros((DD,), dtype=jnp.float32)
    W_out = jax.random.normal(ks[5], (DD, H), dtype=jnp.float32) * 0.05
    b_out = jnp.zeros((H,), dtype=jnp.float32)
    ln1_w = jnp.ones((H,), dtype=jnp.float32)
    ln1_b = jnp.zeros((H,), dtype=jnp.float32)
    ln2_w = jnp.ones((H,), dtype=jnp.float32)
    ln2_b = jnp.zeros((H,), dtype=jnp.float32)
    return {"h_V": h_V, "h_E": h_E, "edge_idx": edge_idx,
            "W_msg0": W_msg0, "b_msg0": b_msg0,
            "W_d0": W_d0, "b_d0": b_d0,
            "W_out": W_out, "b_out": b_out,
            "ln1_w": ln1_w, "ln1_b": ln1_b,
            "ln2_w": ln2_w, "ln2_b": ln2_b}


def reference(h_V, h_E, edge_idx, W_msg0, b_msg0, W_d0, b_d0, W_out, b_out,
              ln1_w, ln1_b, ln2_w, ln2_b):
    # message MLP on edges (dropout is identity at eval time)
    src_idx = edge_idx[0]
    h_message = jax.nn.gelu(h_E @ W_msg0 + b_msg0, approximate=False)
    # scatter_sum over source node index, scaled
    dh = jnp.zeros((h_V.shape[0], h_message.shape[1]), dtype=h_message.dtype)
    dh = dh.at[src_idx].add(h_message) / 30.0
    h_V = _layer_norm(h_V + dh, ln1_w, ln1_b)
    # dense MLP: Linear->GELU->(Dropout)->Linear
    dh = jax.nn.gelu(h_V @ W_d0 + b_d0, approximate=False) @ W_out + b_out
    h_V = _layer_norm(h_V + dh, ln2_w, ln2_b)
    return h_V

if __name__ == "__main__":
    import jax
    _d = setup_inputs()
    print(jax.jit(kernel)(*tuple(_d.values())))

</pallas_src>

<mosaic_0001>
#map = affine_map<(d0, d1) -> (0, 0)>
#map1 = affine_map<(d0, d1) -> (0)>
#map2 = affine_map<(d0, d1) -> (0, 0, 0)>
module attributes {stable_mosaic.version = 14 : i64} {
  func.func @_scatter_body(%arg0: i32, %arg1: i32, %arg2: memref<320000x128xf32, #tpu.memory_space<hbm>>, %arg3: memref<320000xi32, #tpu.memory_space<hbm>>, %arg4: memref<2x10000x128xf32, #tpu.memory_space<hbm>>, %arg5: memref<80x128xf32, #tpu.memory_space<vmem>>, %arg6: memref<80x128xf32, #tpu.memory_space<vmem>>, %arg7: memref<80x128xf32, #tpu.memory_space<vmem>>, %arg8: memref<80x128xf32, #tpu.memory_space<vmem>>, %arg9: memref<80xi32, #tpu.memory_space<vmem>>, %arg10: memref<80xi32, #tpu.memory_space<vmem>>, %arg11: memref<80xi32, #tpu.memory_space<vmem>>, %arg12: memref<80xi32, #tpu.memory_space<vmem>>, %arg13: memref<10000x128xf32, #tpu.memory_space<vmem_shared>>, %arg14: memref<!tpu.dma_semaphore, #tpu.memory_space<semaphore_mem>>, %arg15: memref<!tpu.dma_semaphore, #tpu.memory_space<semaphore_mem>>, %arg16: memref<!tpu.dma_semaphore, #tpu.memory_space<semaphore_mem>>, %arg17: memref<!tpu.dma_semaphore, #tpu.memory_space<semaphore_mem>>, %arg18: memref<!tpu.dma_semaphore, #tpu.memory_space<semaphore_mem>>, %arg19: memref<!tpu.dma_semaphore, #tpu.memory_space<semaphore_mem>>, %arg20: memref<!tpu.dma_semaphore, #tpu.memory_space<semaphore_mem>>, %arg21: memref<!tpu.dma_semaphore, #tpu.memory_space<semaphore_mem>>, %arg22: memref<!tpu.dma_semaphore, #tpu.memory_space<semaphore_mem>>, %arg23: memref<!tpu.dma_semaphore, #tpu.memory_space<semaphore_mem>>, %arg24: memref<!tpu.dma_semaphore, #tpu.memory_space<semaphore_mem>>, %arg25: memref<!tpu.dma_semaphore, #tpu.memory_space<semaphore_mem>>, %arg26: memref<!tpu.dma_semaphore, #tpu.memory_space<semaphore_mem>>) attributes {dimension_semantics = [#tpu.dimension_semantics<core_parallel>, #tpu.dimension_semantics<subcore_parallel>], iteration_bounds = array<i64: 2, 16>, scalar_prefetch = 0 : i64, scratch_operands = 22 : i64, tpu.core_type = #tpu.core_type<sc_vector_subcore>, window_params = [{transform_indices = #map}, {transform_indices = #map1}, {transform_indices = #map2}]} {
    %mul3A = arith.constant 624 : i32
    %mul3A_0 = arith.muli %arg1, %mul3A : i32
    %multiple_of3A = tpu.assume_multiple %mul3A_0, 8 : i32
    %mul3A_1 = arith.constant 2 : i32
    %mul3A_2 = arith.muli %arg1, %mul3A_1 : i32
    %add3A = arith.addi %mul3A_2, %arg0 : i32
    %mul3A_3 = arith.constant 10000 : i32
    %mul3A_4 = arith.muli %add3A, %mul3A_3 : i32
    %add3A_5 = arith.constant 0 : i32
    %add3A_6 = arith.addi %mul3A_4, %add3A_5 : i32
    %multiple_of3A_7 = tpu.assume_multiple %add3A_6, 8 : i32
    %dma_start3A = arith.constant 0 : i32
    %dma_start3A_8 = tpu.memref_slice %arg2[%multiple_of3A_7, %dma_start3A] : memref<320000x128xf32, #tpu.memory_space<hbm>> -> memref<80x128xf32, #tpu.memory_space<hbm>>
    %dma_start3A_9 = arith.constant 0 : i32
    %dma_start3A_10 = tpu.memref_slice %arg2[%multiple_of3A_7, %dma_start3A_9] : memref<320000x128xf32, #tpu.memory_space<hbm>> -> memref<80x128xf32, #tpu.memory_space<hbm>>
    tpu.enqueue_dma source(%dma_start3A_10 : memref<80x128xf32, #tpu.memory_space<hbm>>) target(%arg5 : memref<80x128xf32, #tpu.memory_space<vmem>>) target_semaphore(%arg14 : memref<!tpu.dma_semaphore, #tpu.memory_space<semaphore_mem>>)
    %dma_start3A_11 = tpu.memref_slice %arg3[%multiple_of3A_7] : memref<320000xi32, #tpu.memory_space<hbm>> -> memref<80xi32, #tpu.memory_space<hbm>>
    %dma_start3A_12 = tpu.memref_slice %arg3[%multiple_of3A_7] : memref<320000xi32, #tpu.memory_space<hbm>> -> memref<80xi32, #tpu.memory_space<hbm>>
    tpu.enqueue_dma source(%dma_start3A_12 : memref<80xi32, #tpu.memory_space<hbm>>) target(%arg9 : memref<80xi32, #tpu.memory_space<vmem>>) target_semaphore(%arg18 : memref<!tpu.dma_semaphore, #tpu.memory_space<semaphore_mem>>)
    %add3A_13 = arith.constant 80 : i32
    %add3A_14 = arith.addi %mul3A_4, %add3A_13 : i32
    %multiple_of3A_15 = tpu.assume_multiple %add3A_14, 8 : i32
    %dma_start3A_16 = arith.constant 0 : i32
    %dma_start3A_17 = tpu.memref_slice %arg2[%multiple_of3A_15, %dma_start3A_16] : memref<320000x128xf32, #tpu.memory_space<hbm>> -> memref<80x128xf32, #tpu.memory_space<hbm>>
    %dma_start3A_18 = arith.constant 0 : i32
    %dma_start3A_19 = tpu.memref_slice %arg2[%multiple_of3A_15, %dma_start3A_18] : memref<320000x128xf32, #tpu.memory_space<hbm>> -> memref<80x128xf32, #tpu.memory_space<hbm>>
    tpu.enqueue_dma source(%dma_start3A_19 : memref<80x128xf32, #tpu.memory_space<hbm>>) target(%arg6 : memref<80x128xf32, #tpu.memory_space<vmem>>) target_semaphore(%arg15 : memref<!tpu.dma_semaphore, #tpu.memory_space<semaphore_mem>>)
    %dma_start3A_20 = tpu.memref_slice %arg3[%multiple_of3A_15] : memref<320000xi32, #tpu.memory_space<hbm>> -> memref<80xi32, #tpu.memory_space<hbm>>
    %dma_start3A_21 = tpu.memref_slice %arg3[%multiple_of3A_15] : memref<320000xi32, #tpu.memory_space<hbm>> -> memref<80xi32, #tpu.memory_space<hbm>>
    tpu.enqueue_dma source(%dma_start3A_21 : memref<80xi32, #tpu.memory_space<hbm>>) target(%arg10 : memref<80xi32, #tpu.memory_space<vmem>>) target_semaphore(%arg19 : memref<!tpu.dma_semaphore, #tpu.memory_space<semaphore_mem>>)
    %scan3A = arith.constant 0 : i32
    %scan3A_22 = arith.constant 0 : i32
    %scan3A_23 = arith.constant 80 : i32
    %scan3A_24 = arith.addi %scan3A_22, %scan3A_23 : i32
    %scan3A_25 = arith.constant 1 : i32
    scf.for %scan3A_266 = %scan3A_22 to %scan3A_24 step %scan3A_25  : i32 {
      %broadcast_in_dim3A = arith.constant 0.000000e+00 : f32
      %broadcast_in_dim3A_267 = vector.broadcast %broadcast_in_dim3A : f32 to vector<16xf32>
      %swap3A = arith.index_cast %scan3A_266 : i32 to index
      %swap3A_268 = arith.constant 0 : index
      %swap3A_269 = tpu.vector_load %arg8[%swap3A, %swap3A_268] {strides = array<i32>} : memref<80x128xf32, #tpu.memory_space<vmem>>, vector<1x16xf32>,
      %swap3A_270 = vector.shape_cast %swap3A_269 : vector<1x16xf32> to vector<16xf32>
      %swap3A_271 = vector.shape_cast %broadcast_in_dim3A_267 : vector<16xf32> to vector<1x16xf32>
      tpu.vector_store %arg8[%swap3A, %swap3A_268], %swap3A_271 {strides = array<i32>} : memref<80x128xf32, #tpu.memory_space<vmem>>, vector<1x16xf32>,
      %broadcast_in_dim3A_272 = arith.constant 0.000000e+00 : f32
      %broadcast_in_dim3A_273 = vector.broadcast %broadcast_in_dim3A_272 : f32 to vector<16xf32>
      %swap3A_274 = arith.index_cast %scan3A_266 : i32 to index
      %swap3A_275 = arith.constant 16 : index
      %swap3A_276 = tpu.vector_load %arg8[%swap3A_274, %swap3A_275] {strides = array<i32>} : memref<80x128xf32, #tpu.memory_space<vmem>>, vector<1x16xf32>,
      %swap3A_277 = vector.shape_cast %swap3A_276 : vector<1x16xf32> to vector<16xf32>
      %swap3A_278 = vector.shape_cast %broadcast_in_dim3A_273 : vector<16xf32> to vector<1x16xf32>
      tpu.vector_store %arg8[%swap3A_274, %swap3A_275], %swap3A_278 {strides = array<i32>} : memref<80x128xf32, #tpu.memory_space<vmem>>, vector<1x16xf32>,
      %broadcast_in_dim3A_279 = arith.constant 0.000000e+00 : f32
      %broadcast_in_dim3A_280 = vector.broadcast %broadcast_in_dim3A_279 : f32 to vector<16xf32>
      %swap3A_281 = arith.index_cast %scan3A_266 : i32 to index
      %swap3A_282 = arith.constant 32 : index
      %swap3A_283 = tpu.vector_load %arg8[%swap3A_281, %swap3A_282] {strides = array<i32>} : memref<80x128xf32, #tpu.memory_space<vmem>>, vector<1x16xf32>,
      %swap3A_284 = vector.shape_cast %swap3A_283 : vector<1x16xf32> to vector<16xf32>
      %swap3A_285 = vector.shape_cast %broadcast_in_dim3A_280 : vector<16xf32> to vector<1x16xf32>
      tpu.vector_store %arg8[%swap3A_281, %swap3A_282], %swap3A_285 {strides = array<i32>} : memref<80x128xf32, #tpu.memory_space<vmem>>, vector<1x16xf32>,
      %broadcast_in_dim3A_286 = arith.constant 0.000000e+00 : f32
      %broadcast_in_dim3A_287 = vector.broadcast %broadcast_in_dim3A_286 : f32 to vector<16xf32>
      %swap3A_288 = arith.index_cast %scan3A_266 : i32 to index
      %swap3A_289 = arith.constant 48 : index
      %swap3A_290 = tpu.vector_load %arg8[%swap3A_288, %swap3A_289] {strides = array<i32>} : memref<80x128xf32, #tpu.memory_space<vmem>>, vector<1x16xf32>,
      %swap3A_291 = vector.shape_cast %swap3A_290 : vector<1x16xf32> to vector<16xf32>
      %swap3A_292 = vector.shape_cast %broadcast_in_dim3A_287 : vector<16xf32> to vector<1x16xf32>
      tpu.vector_store %arg8[%swap3A_288, %swap3A_289], %swap3A_292 {strides = array<i32>} : memref<80x128xf32, #tpu.memory_space<vmem>>, vector<1x16xf32>,
      %broadcast_in_dim3A_293 = arith.constant 0.000000e+00 : f32
      %broadcast_in_dim3A_294 = vector.broadcast %broadcast_in_dim3A_293 : f32 to vector<16xf32>
      %swap3A_295 = arith.index_cast %scan3A_266 : i32 to index
      %swap3A_296 = arith.constant 64 : index
      %swap3A_297 = tpu.vector_load %arg8[%swap3A_295, %swap3A_296] {strides = array<i32>} : memref<80x128xf32, #tpu.memory_space<vmem>>, vector<1x16xf32>,
      %swap3A_298 = vector.shape_cast %swap3A_297 : vector<1x16xf32> to vector<16xf32>
      %swap3A_299 = vector.shape_cast %broadcast_in_dim3A_294 : vector<16xf32> to vector<1x16xf32>
      tpu.vector_store %arg8[%swap3A_295, %swap3A_296], %swap3A_299 {strides = array<i32>} : memref<80x128xf32, #tpu.memory_space<vmem>>, vector<1x16xf32>,
      %broadcast_in_dim3A_300 = arith.constant 0.000000e+00 : f32
      %broadcast_in_dim3A_301 = vector.broadcast %broadcast_in_dim3A_300 : f32 to vector<16xf32>
      %swap3A_302 = arith.index_cast %scan3A_266 : i32 to index
      %swap3A_303 = arith.constant 80 : index
      %swap3A_304 = tpu.vector_load %arg8[%swap3A_302, %swap3A_303] {strides = array<i32>} : memref<80x128xf32, #tpu.memory_space<vmem>>, vector<1x16xf32>,
      %swap3A_305 = vector.shape_cast %swap3A_304 : vector<1x16xf32> to vector<16xf32>
      %swap3A_306 = vector.shape_cast %broadcast_in_dim3A_301 : vector<16xf32> to vector<1x16xf32>
      tpu.vector_store %arg8[%swap3A_302, %swap3A_303], %swap3A_306 {strides = array<i32>} : memref<80x128xf32, #tpu.memory_space<vmem>>, vector<1x16xf32>,
      %broadcast_in_dim3A_307 = arith.constant 0.000000e+00 : f32
      %broadcast_in_dim3A_308 = vector.broadcast %broadcast_in_dim3A_307 : f32 to vector<16xf32>
      %swap3A_309 = arith.index_cast %scan3A_266 : i32 to index
      %swap3A_310 = arith.constant 96 : index
      %swap3A_311 = tpu.vector_load %arg8[%swap3A_309, %swap3A_310] {strides = array<i32>} : memref<80x128xf32, #tpu.memory_space<vmem>>, vector<1x16xf32>,
      %swap3A_312 = vector.shape_cast %swap3A_311 : vector<1x16xf32> to vector<16xf32>
      %swap3A_313 = vector.shape_cast %broadcast_in_dim3A_308 : vector<16xf32> to vector<1x16xf32>
      tpu.vector_store %arg8[%swap3A_309, %swap3A_310], %swap3A_313 {strides = array<i32>} : memref<80x128xf32, #tpu.memory_space<vmem>>, vector<1x16xf32>,
      %broadcast_in_dim3A_314 = arith.constant 0.000000e+00 : f32
      %broadcast_in_dim3A_315 = vector.broadcast %broadcast_in_dim3A_314 : f32 to vector<16xf32>
      %swap3A_316 = arith.index_cast %scan3A_266 : i32 to index
      %swap3A_317 = arith.constant 112 : index
      %swap3A_318 = tpu.vector_load %arg8[%swap3A_316, %swap3A_317] {strides = array<i32>} : memref<80x128xf32, #tpu.memory_space<vmem>>, vector<1x16xf32>,
      %swap3A_319 = vector.shape_cast %swap3A_318 : vector<1x16xf32> to vector<16xf32>
      %swap3A_320 = vector.shape_cast %broadcast_in_dim3A_315 : vector<16xf32> to vector<1x16xf32>
      tpu.vector_store %arg8[%swap3A_316, %swap3A_317], %swap3A_320 {strides = array<i32>} : memref<80x128xf32, #tpu.memory_space<vmem>>, vector<1x16xf32>,
    }
    %scan3A_26 = arith.constant 80 : i32
    %add3A_27 = arith.constant 0 : i32
    %add3A_28 = arith.addi %multiple_of3A, %add3A_27 : i32
    %multiple_of3A_29 = tpu.assume_multiple %add3A_28, 8 : i32
    %dma_start3A_30 = arith.constant 0 : i32
    %dma_start3A_31 = tpu.memref_slice %arg13[%multiple_of3A_29, %dma_start3A_30] : memref<10000x128xf32, #tpu.memory_space<vmem_shared>> -> memref<80x128xf32, #tpu.memory_space<vmem_shared>>
    %dma_start3A_32 = arith.constant 0 : i32
    %dma_start3A_33 = tpu.memref_slice %arg13[%multiple_of3A_29, %dma_start3A_32] : memref<10000x128xf32, #tpu.memory_space<vmem_shared>> -> memref<80x128xf32, #tpu.memory_space<vmem_shared>>
    tpu.enqueue_dma source(%arg8 : memref<80x128xf32, #tpu.memory_space<vmem>>) target(%dma_start3A_33 : memref<80x128xf32, #tpu.memory_space<vmem_shared>>) target_semaphore(%arg26 : memref<!tpu.dma_semaphore, #tpu.memory_space<semaphore_mem>>)
    %add3A_34 = arith.constant 80 : i32
    %add3A_35 = arith.addi %multiple_of3A, %add3A_34 : i32
    %multiple_of3A_36 = tpu.assume_multiple %add3A_35, 8 : i32
    %dma_start3A_37 = arith.constant 0 : i32
    %dma_start3A_38 = tpu.memref_slice %arg13[%multiple_of3A_36, %dma_start3A_37] : memref<10000x128xf32, #tpu.memory_space<vmem_shared>> -> memref<80x128xf32, #tpu.memory_space<vmem_shared>>
    %dma_start3A_39 = arith.constant 0 : i32
    %dma_start3A_40 = tpu.memref_slice %arg13[%multiple_of3A_36, %dma_start3A_39] : memref<10000x128xf32, #tpu.memory_space<vmem_shared>> -> memref<80x128xf32, #tpu.memory_space<vmem_shared>>
    tpu.enqueue_dma source(%arg8 : memref<80x128xf32, #tpu.memory_space<vmem>>) target(%dma_start3A_40 : memref<80x128xf32, #tpu.memory_space<vmem_shared>>) target_semaphore(%arg26 : memref<!tpu.dma_semaphore, #tpu.memory_space<semaphore_mem>>)
    %add3A_41 = arith.constant 160 : i32
    %add3A_42 = arith.addi %multiple_of3A, %add3A_41 : i32
    %multiple_of3A_43 = tpu.assume_multiple %add3A_42, 8 : i32
    %dma_start3A_44 = arith.constant 0 : i32
    %dma_start3A_45 = tpu.memref_slice %arg13[%multiple_of3A_43, %dma_start3A_44] : memref<10000x128xf32, #tpu.memory_space<vmem_shared>> -> memref<80x128xf32, #tpu.memory_space<vmem_shared>>
    %dma_start3A_46 = arith.constant 0 : i32
    %dma_start3A_47 = tpu.memref_slice %arg13[%multiple_of3A_43, %dma_start3A_46] : memref<10000x128xf32, #tpu.memory_space<vmem_shared>> -> memref<80x128xf32, #tpu.memory_space<vmem_shared>>
    tpu.enqueue_dma source(%arg8 : memref<80x128xf32, #tpu.memory_space<vmem>>) target(%dma_start3A_47 : memref<80x128xf32, #tpu.memory_space<vmem_shared>>) target_semaphore(%arg26 : memref<!tpu.dma_semaphore, #tpu.memory_space<semaphore_mem>>)
    %add3A_48 = arith.constant 240 : i32
    %add3A_49 = arith.addi %multiple_of3A, %add3A_48 : i32
    %multiple_of3A_50 = tpu.assume_multiple %add3A_49, 8 : i32
    %dma_start3A_51 = arith.constant 0 : i32
    %dma_start3A_52 = tpu.memref_slice %arg13[%multiple_of3A_50, %dma_start3A_51] : memref<10000x128xf32, #tpu.memory_space<vmem_shared>> -> memref<80x128xf32, #tpu.memory_space<vmem_shared>>
    %dma_start3A_53 = arith.constant 0 : i32
    %dma_start3A_54 = tpu.memref_slice %arg13[%multiple_of3A_50, %dma_start3A_53] : memref<10000x128xf32, #tpu.memory_space<vmem_shared>> -> memref<80x128xf32, #tpu.memory_space<vmem_shared>>
    tpu.enqueue_dma source(%arg8 : memref<80x128xf32, #tpu.memory_space<vmem>>) target(%dma_start3A_54 : memref<80x128xf32, #tpu.memory_space<vmem_shared>>) target_semaphore(%arg26 : memref<!tpu.dma_semaphore, #tpu.memory_space<semaphore_mem>>)
    %add3A_55 = arith.constant 320 : i32
    %add3A_56 = arith.addi %multiple_of3A, %add3A_55 : i32
    %multiple_of3A_57 = tpu.assume_multiple %add3A_56, 8 : i32
    %dma_start3A_58 = arith.constant 0 : i32
    %dma_start3A_59 = tpu.memref_slice %arg13[%multiple_of3A_57, %dma_start3A_58] : memref<10000x128xf32, #tpu.memory_space<vmem_shared>> -> memref<80x128xf32, #tpu.memory_space<vmem_shared>>
    %dma_start3A_60 = arith.constant 0 : i32
    %dma_start3A_61 = tpu.memref_slice %arg13[%multiple_of3A_57, %dma_start3A_60] : memref<10000x128xf32, #tpu.memory_space<vmem_shared>> -> memref<80x128xf32, #tpu.memory_space<vmem_shared>>
    tpu.enqueue_dma source(%arg8 : memref<80x128xf32, #tpu.memory_space<vmem>>) target(%dma_start3A_61 : memref<80x128xf32, #tpu.memory_space<vmem_shared>>) target_semaphore(%arg26 : memref<!tpu.dma_semaphore, #tpu.memory_space<semaphore_mem>>)
    %add3A_62 = arith.constant 400 : i32
    %add3A_63 = arith.addi %multiple_of3A, %add3A_62 : i32
    %multiple_of3A_64 = tpu.assume_multiple %add3A_63, 8 : i32
    %dma_start3A_65 = arith.constant 0 : i32
    %dma_start3A_66 = tpu.memref_slice %arg13[%multiple_of3A_64, %dma_start3A_65] : memref<10000x128xf32, #tpu.memory_space<vmem_shared>> -> memref<80x128xf32, #tpu.memory_space<vmem_shared>>
    %dma_start3A_67 = arith.constant 0 : i32
    %dma_start3A_68 = tpu.memref_slice %arg13[%multiple_of3A_64, %dma_start3A_67] : memref<10000x128xf32, #tpu.memory_space<vmem_shared>> -> memref<80x128xf32, #tpu.memory_space<vmem_shared>>
    tpu.enqueue_dma source(%arg8 : memref<80x128xf32, #tpu.memory_space<vmem>>) target(%dma_start3A_68 : memref<80x128xf32, #tpu.memory_space<vmem_shared>>) target_semaphore(%arg26 : memref<!tpu.dma_semaphore, #tpu.memory_space<semaphore_mem>>)
    %add3A_69 = arith.constant 480 : i32
    %add3A_70 = arith.addi %multiple_of3A, %add3A_69 : i32
    %multiple_of3A_71 = tpu.assume_multiple %add3A_70, 8 : i32
    %dma_start3A_72 = arith.constant 0 : i32
    %dma_start3A_73 = tpu.memref_slice %arg13[%multiple_of3A_71, %dma_start3A_72] : memref<10000x128xf32, #tpu.memory_space<vmem_shared>> -> memref<80x128xf32, #tpu.memory_space<vmem_shared>>
    %dma_start3A_74 = arith.constant 0 : i32
    %dma_start3A_75 = tpu.memref_slice %arg13[%multiple_of3A_71, %dma_start3A_74] : memref<10000x128xf32, #tpu.memory_space<vmem_shared>> -> memref<80x128xf32, #tpu.memory_space<vmem_shared>>
    tpu.enqueue_dma source(%arg8 : memref<80x128xf32, #tpu.memory_space<vmem>>) target(%dma_start3A_75 : memref<80x128xf32, #tpu.memory_space<vmem_shared>>) target_semaphore(%arg26 : memref<!tpu.dma_semaphore, #tpu.memory_space<semaphore_mem>>)
    %lt3A = arith.constant 15 : i32
    %lt3A_76 = arith.cmpi slt, %arg1, %lt3A : i32
    %convert_element_type3A = arith.extui %lt3A_76 : i1 to i32
    %cond3A = arith.constant 0 : i32
    %cond3A_77 = arith.cmpi ne, %convert_element_type3A, %cond3A : i32
    scf.if %cond3A_77 {
      %add3A_266 = arith.constant 560 : i32
      %add3A_267 = arith.addi %multiple_of3A, %add3A_266 : i32
      %multiple_of3A_268 = tpu.assume_multiple %add3A_267, 8 : i32
      %dma_start3A_269 = arith.constant 0 : i32
      %dma_start3A_270 = arith.constant 0 : i32
      %dma_start3A_271 = tpu.memref_slice %arg8[%dma_start3A_269, %dma_start3A_270] : memref<80x128xf32, #tpu.memory_space<vmem>> -> memref<64x128xf32, #tpu.memory_space<vmem>>
      %dma_start3A_272 = arith.constant 0 : i32
      %dma_start3A_273 = tpu.memref_slice %arg13[%multiple_of3A_268, %dma_start3A_272] : memref<10000x128xf32, #tpu.memory_space<vmem_shared>> -> memref<64x128xf32, #tpu.memory_space<vmem_shared>>
      %dma_start3A_274 = arith.constant 0 : i32
      %dma_start3A_275 = tpu.memref_slice %arg13[%multiple_of3A_268, %dma_start3A_274] : memref<10000x128xf32, #tpu.memory_space<vmem_shared>> -> memref<64x128xf32, #tpu.memory_space<vmem_shared>>
      %dma_start3A_276 = arith.constant 0 : i32
      %dma_start3A_277 = arith.constant 0 : i32
      %dma_start3A_278 = tpu.memref_slice %arg8[%dma_start3A_276, %dma_start3A_277] : memref<80x128xf32, #tpu.memory_space<vmem>> -> memref<64x128xf32, #tpu.memory_space<vmem>>
      tpu.enqueue_dma source(%dma_start3A_278 : memref<64x128xf32, #tpu.memory_space<vmem>>) target(%dma_start3A_275 : memref<64x128xf32, #tpu.memory_space<vmem_shared>>) target_semaphore(%arg26 : memref<!tpu.dma_semaphore, #tpu.memory_space<semaphore_mem>>)
    } else {
    }
    %eq3A = arith.constant 15 : i32
    %eq3A_78 = arith.cmpi eq, %arg1, %eq3A : i32
    %convert_element_type3A_79 = arith.extui %eq3A_78 : i1 to i32
    %cond3A_80 = arith.constant 0 : i32
    %cond3A_81 = arith.cmpi ne, %convert_element_type3A_79, %cond3A_80 : i32
    scf.if %cond3A_81 {
      %add3A_266 = arith.constant 560 : i32
      %add3A_267 = arith.addi %multiple_of3A, %add3A_266 : i32
      %multiple_of3A_268 = tpu.assume_multiple %add3A_267, 8 : i32
      %dma_start3A_269 = arith.constant 0 : i32
      %dma_start3A_270 = tpu.memref_slice %arg13[%multiple_of3A_268, %dma_start3A_269] : memref<10000x128xf32, #tpu.memory_space<vmem_shared>> -> memref<80x128xf32, #tpu.memory_space<vmem_shared>>
      %dma_start3A_271 = arith.constant 0 : i32
      %dma_start3A_272 = tpu.memref_slice %arg13[%multiple_of3A_268, %dma_start3A_271] : memref<10000x128xf32, #tpu.memory_space<vmem_shared>> -> memref<80x128xf32, #tpu.memory_space<vmem_shared>>
      tpu.enqueue_dma source(%arg8 : memref<80x128xf32, #tpu.memory_space<vmem>>) target(%dma_start3A_272 : memref<80x128xf32, #tpu.memory_space<vmem_shared>>) target_semaphore(%arg26 : memref<!tpu.dma_semaphore, #tpu.memory_space<semaphore_mem>>)
    } else {
    }
    %dma_wait3A = arith.constant 0 : i32
    %dma_wait3A_82 = arith.constant 0 : i32
    %dma_wait3A_83 = tpu.memref_slice %arg13[%dma_wait3A, %dma_wait3A_82] : memref<10000x128xf32, #tpu.memory_space<vmem_shared>> -> memref<80x128xf32, #tpu.memory_space<vmem_shared>>
    %dma_wait3A_84 = arith.constant 0 : i32
    %dma_wait3A_85 = arith.constant 0 : i32
    %dma_wait3A_86 = tpu.memref_slice %arg13[%dma_wait3A_84, %dma_wait3A_85] : memref<10000x128xf32, #tpu.memory_space<vmem_shared>> -> memref<80x128xf32, #tpu.memory_space<vmem_shared>>
    tpu.wait_dma2 semaphore(%arg26 : memref<!tpu.dma_semaphore, #tpu.memory_space<semaphore_mem>>) src(%arg8 : memref<80x128xf32, #tpu.memory_space<vmem>>) dst(%dma_wait3A_86 : memref<80x128xf32, #tpu.memory_space<vmem_shared>>)
    %dma_wait3A_87 = arith.constant 0 : i32
    %dma_wait3A_88 = arith.constant 0 : i32
    %dma_wait3A_89 = tpu.memref_slice %arg13[%dma_wait3A_87, %dma_wait3A_88] : memref<10000x128xf32, #tpu.memory_space<vmem_shared>> -> memref<80x128xf32, #tpu.memory_space<vmem_shared>>
    %dma_wait3A_90 = arith.constant 0 : i32
    %dma_wait3A_91 = arith.constant 0 : i32
    %dma_wait3A_92 = tpu.memref_slice %arg13[%dma_wait3A_90, %dma_wait3A_91] : memref<10000x128xf32, #tpu.memory_space<vmem_shared>> -> memref<80x128xf32, #tpu.memory_space<vmem_shared>>
    tpu.wait_dma2 semaphore(%arg26 : memref<!tpu.dma_semaphore, #tpu.memory_space<semaphore_mem>>) src(%arg8 : memref<80x128xf32, #tpu.memory_space<vmem>>) dst(%dma_wait3A_92 : memref<80x128xf32, #tpu.memory_space<vmem_shared>>)
    %dma_wait3A_93 = arith.constant 0 : i32
    %dma_wait3A_94 = arith.constant 0 : i32
    %dma_wait3A_95 = tpu.memref_slice %arg13[%dma_wait3A_93, %dma_wait3A_94] : memref<10000x128xf32, #tpu.memory_space<vmem_shared>> -> memref<80x128xf32, #tpu.memory_space<vmem_shared>>
    %dma_wait3A_96 = arith.constant 0 : i32
    %dma_wait3A_97 = arith.constant 0 : i32
    %dma_wait3A_98 = tpu.memref_slice %arg13[%dma_wait3A_96, %dma_wait3A_97] : memref<10000x128xf32, #tpu.memory_space<vmem_shared>> -> memref<80x128xf32, #tpu.memory_space<vmem_shared>>
    tpu.wait_dma2 semaphore(%arg26 : memref<!tpu.dma_semaphore, #tpu.memory_space<semaphore_mem>>) src(%arg8 : memref<80x128xf32, #tpu.memory_space<vmem>>) dst(%dma_wait3A_98 : memref<80x128xf32, #tpu.memory_space<vmem_shared>>)
    %dma_wait3A_99 = arith.constant 0 : i32
    %dma_wait3A_100 = arith.constant 0 : i32
    %dma_wait3A_101 = tpu.memref_slice %arg13[%dma_wait3A_99, %dma_wait3A_100] : memref<10000x128xf32, #tpu.memory_space<vmem_shared>> -> memref<80x128xf32, #tpu.memory_space<vmem_shared>>
    %dma_wait3A_102 = arith.constant 0 : i32
    %dma_wait3A_103 = arith.constant 0 : i32
    %dma_wait3A_104 = tpu.memref_slice %arg13[%dma_wait3A_102, %dma_wait3A_103] : memref<10000x128xf32, #tpu.memory_space<vmem_shared>> -> memref<80x128xf32, #tpu.memory_space<vmem_shared>>
    tpu.wait_dma2 semaphore(%arg26 : memref<!tpu.dma_semaphore, #tpu.memory_space<semaphore_mem>>) src(%arg8 : memref<80x128xf32, #tpu.memory_space<vmem>>) dst(%dma_wait3A_104 : memref<80x128xf32, #tpu.memory_space<vmem_shared>>)
    %dma_wait3A_105 = arith.constant 0 : i32
    %dma_wait3A_106 = arith.constant 0 : i32
    %dma_wait3A_107 = tpu.memref_slice %arg13[%dma_wait3A_105, %dma_wait3A_106] : memref<10000x128xf32, #tpu.memory_space<vmem_shared>> -> memref<80x128xf32, #tpu.memory_space<vmem_shared>>
    %dma_wait3A_108 = arith.constant 0 : i32
    %dma_wait3A_109 = arith.constant 0 : i32
    %dma_wait3A_110 = tpu.memref_slice %arg13[%dma_wait3A_108, %dma_wait3A_109] : memref<10000x128xf32, #tpu.memory_space<vmem_shared>> -> memref<80x128xf32, #tpu.memory_space<vmem_shared>>
    tpu.wait_dma2 semaphore(%arg26 : memref<!tpu.dma_semaphore, #tpu.memory_space<semaphore_mem>>) src(%arg8 : memref<80x128xf32, #tpu.memory_space<vmem>>) dst(%dma_wait3A_110 : memref<80x128xf32, #tpu.memory_space<vmem_shared>>)
    %dma_wait3A_111 = arith.constant 0 : i32
    %dma_wait3A_112 = arith.constant 0 : i32
    %dma_wait3A_113 = tpu.memref_slice %arg13[%dma_wait3A_111, %dma_wait3A_112] : memref<10000x128xf32, #tpu.memory_space<vmem_shared>> -> memref<80x128xf32, #tpu.memory_space<vmem_shared>>
    %dma_wait3A_114 = arith.constant 0 : i32
    %dma_wait3A_115 = arith.constant 0 : i32
    %dma_wait3A_116 = tpu.memref_slice %arg13[%dma_wait3A_114, %dma_wait3A_115] : memref<10000x128xf32, #tpu.memory_space<vmem_shared>> -> memref<80x128xf32, #tpu.memory_space<vmem_shared>>
    tpu.wait_dma2 semaphore(%arg26 : memref<!tpu.dma_semaphore, #tpu.memory_space<semaphore_mem>>) src(%arg8 : memref<80x128xf32, #tpu.memory_space<vmem>>) dst(%dma_wait3A_116 : memref<80x128xf32, #tpu.memory_space<vmem_shared>>)
    %dma_wait3A_117 = arith.constant 0 : i32
    %dma_wait3A_118 = arith.constant 0 : i32
    %dma_wait3A_119 = tpu.memref_slice %arg13[%dma_wait3A_117, %dma_wait3A_118] : memref<10000x128xf32, #tpu.memory_space<vmem_shared>> -> memref<80x128xf32, #tpu.memory_space<vmem_shared>>
    %dma_wait3A_120 = arith.constant 0 : i32
    %dma_wait3A_121 = arith.constant 0 : i32
    %dma_wait3A_122 = tpu.memref_slice %arg13[%dma_wait3A_120, %dma_wait3A_121] : memref<10000x128xf32, #tpu.memory_space<vmem_shared>> -> memref<80x128xf32, #tpu.memory_space<vmem_shared>>
    tpu.wait_dma2 semaphore(%arg26 : memref<!tpu.dma_semaphore, #tpu.memory_space<semaphore_mem>>) src(%arg8 : memref<80x128xf32, #tpu.memory_space<vmem>>) dst(%dma_wait3A_122 : memref<80x128xf32, #tpu.memory_space<vmem_shared>>)
    %lt3A_123 = arith.constant 15 : i32
    %lt3A_124 = arith.cmpi slt, %arg1, %lt3A_123 : i32
    %convert_element_type3A_125 = arith.extui %lt3A_124 : i1 to i32
    %cond3A_126 = arith.constant 0 : i32
    %cond3A_127 = arith.cmpi ne, %convert_element_type3A_125, %cond3A_126 : i32
    scf.if %cond3A_127 {
      %dma_wait3A_266 = arith.constant 0 : i32
      %dma_wait3A_267 = arith.constant 0 : i32
      %dma_wait3A_268 = tpu.memref_slice %arg8[%dma_wait3A_266, %dma_wait3A_267] : memref<80x128xf32, #tpu.memory_space<vmem>> -> memref<64x128xf32, #tpu.memory_space<vmem>>
      %dma_wait3A_269 = arith.constant 0 : i32
      %dma_wait3A_270 = arith.constant 0 : i32
      %dma_wait3A_271 = tpu.memref_slice %arg13[%dma_wait3A_269, %dma_wait3A_270] : memref<10000x128xf32, #tpu.memory_space<vmem_shared>> -> memref<64x128xf32, #tpu.memory_space<vmem_shared>>
      %dma_wait3A_272 = arith.constant 0 : i32
      %dma_wait3A_273 = arith.constant 0 : i32
      %dma_wait3A_274 = tpu.memref_slice %arg13[%dma_wait3A_272, %dma_wait3A_273] : memref<10000x128xf32, #tpu.memory_space<vmem_shared>> -> memref<64x128xf32, #tpu.memory_space<vmem_shared>>
      %dma_wait3A_275 = arith.constant 0 : i32
      %dma_wait3A_276 = arith.constant 0 : i32
      %dma_wait3A_277 = tpu.memref_slice %arg8[%dma_wait3A_275, %dma_wait3A_276] : memref<80x128xf32, #tpu.memory_space<vmem>> -> memref<64x128xf32, #tpu.memory_space<vmem>>
      tpu.wait_dma2 semaphore(%arg26 : memref<!tpu.dma_semaphore, #tpu.memory_space<semaphore_mem>>) src(%dma_wait3A_277 : memref<64x128xf32, #tpu.memory_space<vmem>>) dst(%dma_wait3A_274 : memref<64x128xf32, #tpu.memory_space<vmem_shared>>)
    } else {
    }
    %eq3A_128 = arith.constant 15 : i32
    %eq3A_129 = arith.cmpi eq, %arg1, %eq3A_128 : i32
    %convert_element_type3A_130 = arith.extui %eq3A_129 : i1 to i32
    %cond3A_131 = arith.constant 0 : i32
    %cond3A_132 = arith.cmpi ne, %convert_element_type3A_130, %cond3A_131 : i32
    scf.if %cond3A_132 {
      %dma_wait3A_266 = arith.constant 0 : i32
      %dma_wait3A_267 = arith.constant 0 : i32
      %dma_wait3A_268 = tpu.memref_slice %arg13[%dma_wait3A_266, %dma_wait3A_267] : memref<10000x128xf32, #tpu.memory_space<vmem_shared>> -> memref<80x128xf32, #tpu.memory_space<vmem_shared>>
      %dma_wait3A_269 = arith.constant 0 : i32
      %dma_wait3A_270 = arith.constant 0 : i32
      %dma_wait3A_271 = tpu.memref_slice %arg13[%dma_wait3A_269, %dma_wait3A_270] : memref<10000x128xf32, #tpu.memory_space<vmem_shared>> -> memref<80x128xf32, #tpu.memory_space<vmem_shared>>
      tpu.wait_dma2 semaphore(%arg26 : memref<!tpu.dma_semaphore, #tpu.memory_space<semaphore_mem>>) src(%arg8 : memref<80x128xf32, #tpu.memory_space<vmem>>) dst(%dma_wait3A_271 : memref<80x128xf32, #tpu.memory_space<vmem_shared>>)
    } else {
    }
    %barrier3A = arith.constant 0 : index
    tpu.barrier barrier_id(%barrier3A)
    %add3A_133 = arith.constant 160 : i32
    %add3A_134 = arith.addi %mul3A_4, %add3A_133 : i32
    %multiple_of3A_135 = tpu.assume_multiple %add3A_134, 8 : i32
    %dma_start3A_136 = arith.constant 0 : i32
    %dma_start3A_137 = tpu.memref_slice %arg2[%multiple_of3A_135, %dma_start3A_136] : memref<320000x128xf32, #tpu.memory_space<hbm>> -> memref<80x128xf32, #tpu.memory_space<hbm>>
    %dma_start3A_138 = arith.constant 0 : i32
    %dma_start3A_139 = tpu.memref_slice %arg2[%multiple_of3A_135, %dma_start3A_138] : memref<320000x128xf32, #tpu.memory_space<hbm>> -> memref<80x128xf32, #tpu.memory_space<hbm>>
    tpu.enqueue_dma source(%dma_start3A_139 : memref<80x128xf32, #tpu.memory_space<hbm>>) target(%arg7 : memref<80x128xf32, #tpu.memory_space<vmem>>) target_semaphore(%arg16 : memref<!tpu.dma_semaphore, #tpu.memory_space<semaphore_mem>>)
    %dma_start3A_140 = tpu.memref_slice %arg3[%multiple_of3A_135] : memref<320000xi32, #tpu.memory_space<hbm>> -> memref<80xi32, #tpu.memory_space<hbm>>
    %dma_start3A_141 = tpu.memref_slice %arg3[%multiple_of3A_135] : memref<320000xi32, #tpu.memory_space<hbm>> -> memref<80xi32, #tpu.memory_space<hbm>>
    tpu.enqueue_dma source(%dma_start3A_141 : memref<80xi32, #tpu.memory_space<hbm>>) target(%arg11 : memref<80xi32, #tpu.memory_space<vmem>>) target_semaphore(%arg20 : memref<!tpu.dma_semaphore, #tpu.memory_space<semaphore_mem>>)
    %dma_wait3A_142 = arith.constant 0 : i32
    %dma_wait3A_143 = arith.constant 0 : i32
    %dma_wait3A_144 = tpu.memref_slice %arg2[%dma_wait3A_142, %dma_wait3A_143] : memref<320000x128xf32, #tpu.memory_space<hbm>> -> memref<80x128xf32, #tpu.memory_space<hbm>>
    %dma_wait3A_145 = arith.constant 0 : i32
    %dma_wait3A_146 = arith.constant 0 : i32
    %dma_wait3A_147 = tpu.memref_slice %arg2[%dma_wait3A_145, %dma_wait3A_146] : memref<320000x128xf32, #tpu.memory_space<hbm>> -> memref<80x128xf32, #tpu.memory_space<hbm>>
    tpu.wait_dma2 semaphore(%arg14 : memref<!tpu.dma_semaphore, #tpu.memory_space<semaphore_mem>>) src(%dma_wait3A_147 : memref<80x128xf32, #tpu.memory_space<hbm>>) dst(%arg5 : memref<80x128xf32, #tpu.memory_space<vmem>>)
    %dma_wait3A_148 = arith.constant 0 : i32
    %dma_wait3A_149 = tpu.memref_slice %arg3[%dma_wait3A_148] : memref<320000xi32, #tpu.memory_space<hbm>> -> memref<80xi32, #tpu.memory_space<hbm>>
    %dma_wait3A_150 = arith.constant 0 : i32
    %dma_wait3A_151 = tpu.memref_slice %arg3[%dma_wait3A_150] : memref<320000xi32, #tpu.memory_space<hbm>> -> memref<80xi32, #tpu.memory_space<hbm>>
    tpu.wait_dma2 semaphore(%arg18 : memref<!tpu.dma_semaphore, #tpu.memory_space<semaphore_mem>>) src(%dma_wait3A_151 : memref<80xi32, #tpu.memory_space<hbm>>) dst(%arg9 : memref<80xi32, #tpu.memory_space<vmem>>)
    %dma_start3A_152 = arith.constant 0 : i32
    %dma_start3A_153 = arith.constant 0 : i32
    %dma_start3A_154 = tpu.memref_slice %arg13[%dma_start3A_152, %dma_start3A_153] : memref<10000x128xf32, #tpu.memory_space<vmem_shared>> -> memref<10000x128xf32, #tpu.memory_space<vmem_shared>>
    tpu.enqueue_indirect_dma source(%arg5 : memref<80x128xf32, #tpu.memory_space<vmem>>) target(%dma_start3A_154 : memref<10000x128xf32, #tpu.memory_space<vmem_shared>>) offsets(%arg9 : memref<80xi32, #tpu.memory_space<vmem>>) semaphore(%arg22 : memref<!tpu.dma_semaphore, #tpu.memory_space<semaphore_mem>>) {add = true}
    %add3A_155 = arith.constant 240 : i32
    %add3A_156 = arith.addi %mul3A_4, %add3A_155 : i32
    %multiple_of3A_157 = tpu.assume_multiple %add3A_156, 8 : i32
    %dma_start3A_158 = arith.constant 0 : i32
    %dma_start3A_159 = tpu.memref_slice %arg2[%multiple_of3A_157, %dma_start3A_158] : memref<320000x128xf32, #tpu.memory_space<hbm>> -> memref<80x128xf32, #tpu.memory_space<hbm>>
    %dma_start3A_160 = arith.constant 0 : i32
    %dma_start3A_161 = tpu.memref_slice %arg2[%multiple_of3A_157, %dma_start3A_160] : memref<320000x128xf32, #tpu.memory_space<hbm>> -> memref<80x128xf32, #tpu.memory_space<hbm>>
    tpu.enqueue_dma source(%dma_start3A_161 : memref<80x128xf32, #tpu.memory_space<hbm>>) target(%arg8 : memref<80x128xf32, #tpu.memory_space<vmem>>) target_semaphore(%arg17 : memref<!tpu.dma_semaphore, #tpu.memory_space<semaphore_mem>>)
    %dma_start3A_162 = tpu.memref_slice %arg3[%multiple_of3A_157] : memref<320000xi32, #tpu.memory_space<hbm>> -> memref<80xi32, #tpu.memory_space<hbm>>
    %dma_start3A_163 = tpu.memref_slice %arg3[%multiple_of3A_157] : memref<320000xi32, #tpu.memory_space<hbm>> -> memref<80xi32, #tpu.memory_space<hbm>>
    tpu.enqueue_dma source(%dma_start3A_163 : memref<80xi32, #tpu.memory_space<hbm>>) target(%arg12 : memref<80xi32, #tpu.memory_space<vmem>>) target_semaphore(%arg21 : memref<!tpu.dma_semaphore, #tpu.memory_space<semaphore_mem>>)
    %dma_wait3A_164 = arith.constant 0 : i32
    %dma_wait3A_165 = arith.constant 0 : i32
    %dma_wait3A_166 = tpu.memref_slice %arg2[%dma_wait3A_164, %dma_wait3A_165] : memref<320000x128xf32, #tpu.memory_space<hbm>> -> memref<80x128xf32, #tpu.memory_space<hbm>>
    %dma_wait3A_167 = arith.constant 0 : i32
    %dma_wait3A_168 = arith.constant 0 : i32
    %dma_wait3A_169 = tpu.memref_slice %arg2[%dma_wait3A_167, %dma_wait3A_168] : memref<320000x128xf32, #tpu.memory_space<hbm>> -> memref<80x128xf32, #tpu.memory_space<hbm>>
    tpu.wait_dma2 semaphore(%arg15 : memref<!tpu.dma_semaphore, #tpu.memory_space<semaphore_mem>>) src(%dma_wait3A_169 : memref<80x128xf32, #tpu.memory_space<hbm>>) dst(%arg6 : memref<80x128xf32, #tpu.memory_space<vmem>>)
    %dma_wait3A_170 = arith.constant 0 : i32
    %dma_wait3A_171 = tpu.memref_slice %arg3[%dma_wait3A_170] : memref<320000xi32, #tpu.memory_space<hbm>> -> memref<80xi32, #tpu.memory_space<hbm>>
    %dma_wait3A_172 = arith.constant 0 : i32
    %dma_wait3A_173 = tpu.memref_slice %arg3[%dma_wait3A_172] : memref<320000xi32, #tpu.memory_space<hbm>> -> memref<80xi32, #tpu.memory_space<hbm>>
    tpu.wait_dma2 semaphore(%arg19 : memref<!tpu.dma_semaphore, #tpu.memory_space<semaphore_mem>>) src(%dma_wait3A_173 : memref<80xi32, #tpu.memory_space<hbm>>) dst(%arg10 : memref<80xi32, #tpu.memory_space<vmem>>)
    %dma_start3A_174 = arith.constant 0 : i32
    %dma_start3A_175 = arith.constant 0 : i32
    %dma_start3A_176 = tpu.memref_slice %arg13[%dma_start3A_174, %dma_start3A_175] : memref<10000x128xf32, #tpu.memory_space<vmem_shared>> -> memref<10000x128xf32, #tpu.memory_space<vmem_shared>>
    tpu.enqueue_indirect_dma source(%arg6 : memref<80x128xf32, #tpu.memory_space<vmem>>) target(%dma_start3A_176 : memref<10000x128xf32, #tpu.memory_space<vmem_shared>>) offsets(%arg10 : memref<80xi32, #tpu.memory_space<vmem>>) semaphore(%arg23 : memref<!tpu.dma_semaphore, #tpu.memory_space<semaphore_mem>>) {add = true}
    %dma_wait3A_177 = arith.constant 0 : i32
    %dma_wait3A_178 = arith.constant 0 : i32
    %dma_wait3A_179 = tpu.memref_slice %arg13[%dma_wait3A_177, %dma_wait3A_178] : memref<10000x128xf32, #tpu.memory_space<vmem_shared>> -> memref<10000x128xf32, #tpu.memory_space<vmem_shared>>
    tpu.wait_indirect_dma semaphore(%arg22 : memref<!tpu.dma_semaphore, #tpu.memory_space<semaphore_mem>>) src(%arg5 : memref<80x128xf32, #tpu.memory_space<vmem>>) dst(%dma_wait3A_179 : memref<10000x128xf32, #tpu.memory_space<vmem_shared>>)
    %add3A_180 = arith.constant 320 : i32
    %add3A_181 = arith.addi %mul3A_4, %add3A_180 : i32
    %multiple_of3A_182 = tpu.assume_multiple %add3A_181, 8 : i32
    %dma_start3A_183 = arith.constant 0 : i32
    %dma_start3A_184 = tpu.memref_slice %arg2[%multiple_of3A_182, %dma_start3A_183] : memref<320000x128xf32, #tpu.memory_space<hbm>> -> memref<80x128xf32, #tpu.memory_space<hbm>>
    %dma_start3A_185 = arith.constant 0 : i32
    %dma_start3A_186 = tpu.memref_slice %arg2[%multiple_of3A_182, %dma_start3A_185] : memref<320000x128xf32, #tpu.memory_space<hbm>> -> memref<80x128xf32, #tpu.memory_space<hbm>>
    tpu.enqueue_dma source(%dma_start3A_186 : memref<80x128xf32, #tpu.memory_space<hbm>>) target(%arg5 : memref<80x128xf32, #tpu.memory_space<vmem>>) target_semaphore(%arg14 : memref<!tpu.dma_semaphore, #tpu.memory_space<semaphore_mem>>)
    %dma_start3A_187 = tpu.memref_slice %arg3[%multiple_of3A_182] : memref<320000xi32, #tpu.memory_space<hbm>> -> memref<80xi32, #tpu.memory_space<hbm>>
    %dma_start3A_188 = tpu.memref_slice %arg3[%multiple_of3A_182] : memref<320000xi32, #tpu.memory_space<hbm>> -> memref<80xi32, #tpu.memory_space<hbm>>
    tpu.enqueue_dma source(%dma_start3A_188 : memref<80xi32, #tpu.memory_space<hbm>>) target(%arg9 : memref<80xi32, #tpu.memory_space<vmem>>) target_semaphore(%arg18 : memref<!tpu.dma_semaphore, #tpu.memory_space<semaphore_mem>>)
    %dma_wait3A_189 = arith.constant 0 : i32
    %dma_wait3A_190 = arith.constant 0 : i32
    %dma_wait3A_191 = tpu.memref_slice %arg2[%dma_wait3A_189, %dma_wait3A_190] : memref<320000x128xf32, #tpu.memory_space<hbm>> -> memref<80x128xf32, #tpu.memory_space<hbm>>
    %dma_wait3A_192 = arith.constant 0 : i32
    %dma_wait3A_193 = arith.constant 0 : i32
    %dma_wait3A_194 = tpu.memref_slice %arg2[%dma_wait3A_192, %dma_wait3A_193] : memref<320000x128xf32, #tpu.memory_space<hbm>> -> memref<80x128xf32, #tpu.memory_space<hbm>>
    tpu.wait_dma2 semaphore(%arg16 : memref<!tpu.dma_semaphore, #tpu.memory_space<semaphore_mem>>) src(%dma_wait3A_194 : memref<80x128xf32, #tpu.memory_space<hbm>>) dst(%arg7 : memref<80x128xf32, #tpu.memory_space<vmem>>)
    %dma_wait3A_195 = arith.constant 0 : i32
    %dma_wait3A_196 = tpu.memref_slice %arg3[%dma_wait3A_195] : memref<320000xi32, #tpu.memory_space<hbm>> -> memref<80xi32, #tpu.memory_space<hbm>>
    %dma_wait3A_197 = arith.constant 0 : i32
    %dma_wait3A_198 = tpu.memref_slice %arg3[%dma_wait3A_197] : memref<320000xi32, #tpu.memory_space<hbm>> -> memref<80xi32, #tpu.memory_space<hbm>>
    tpu.wait_dma2 semaphore(%arg20 : memref<!tpu.dma_semaphore, #tpu.memory_space<semaphore_mem>>) src(%dma_wait3A_198 : memref<80xi32, #tpu.memory_space<hbm>>) dst(%arg11 : memref<80xi32, #tpu.memory_space<vmem>>)
    %dma_start3A_199 = arith.constant 0 : i32
    %dma_start3A_200 = arith.constant 0 : i32
    %dma_start3A_201 = tpu.memref_slice %arg13[%dma_start3A_199, %dma_start3A_200] : memref<10000x128xf32, #tpu.memory_space<vmem_shared>> -> memref<10000x128xf32, #tpu.memory_space<vmem_shared>>
    tpu.enqueue_indirect_dma source(%arg7 : memref<80x128xf32, #tpu.memory_space<vmem>>) target(%dma_start3A_201 : memref<10000x128xf32, #tpu.memory_space<vmem_shared>>) offsets(%arg11 : memref<80xi32, #tpu.memory_space<vmem>>) semaphore(%arg24 : memref<!tpu.dma_semaphore, #tpu.memory_space<semaphore_mem>>) {add = true}
    %dma_wait3A_202 = arith.constant 0 : i32
    %dma_wait3A_203 = arith.constant 0 : i32
    %dma_wait3A_204 = tpu.memref_slice %arg13[%dma_wait3A_202, %dma_wait3A_203] : memref<10000x128xf32, #tpu.memory_space<vmem_shared>> -> memref<10000x128xf32, #tpu.memory_space<vmem_shared>>
    tpu.wait_indirect_dma semaphore(%arg23 : memref<!tpu.dma_semaphore, #tpu.memory_space<semaphore_mem>>) src(%arg6 : memref<80x128xf32, #tpu.memory_space<vmem>>) dst(%dma_wait3A_204 : memref<10000x128xf32, #tpu.memory_space<vmem_shared>>)
    %add3A_205 = arith.constant 400 : i32
    %add3A_206 = arith.addi %mul3A_4, %add3A_205 : i32
    %multiple_of3A_207 = tpu.assume_multiple %add3A_206, 8 : i32
    %dma_start3A_208 = arith.constant 0 : i32
    %dma_start3A_209 = tpu.memref_slice %arg2[%multiple_of3A_207, %dma_start3A_208] : memref<320000x128xf32, #tpu.memory_space<hbm>> -> memref<80x128xf32, #tpu.memory_space<hbm>>
    %dma_start3A_210 = arith.constant 0 : i32
    %dma_start3A_211 = tpu.memref_slice %arg2[%multiple_of3A_207, %dma_start3A_210] : memref<320000x128xf32, #tpu.memory_space<hbm>> -> memref<80x128xf32, #tpu.memory_space<hbm>>
    tpu.enqueue_dma source(%dma_start3A_211 : memref<80x128xf32, #tpu.memory_space<hbm>>) target(%arg6 : memref<80x128xf32, #tpu.memory_space<vmem>>) target_semaphore(%arg15 : memref<!tpu.dma_semaphore, #tpu.memory_space<semaphore_mem>>)
    %dma_start3A_212 = tpu.memref_slice %arg3[%multiple_of3A_207] : memref<320000xi32, #tpu.memory_space<hbm>> -> memref<80xi32, #tpu.memory_space<hbm>>
    %dma_start3A_213 = tpu.memref_slice %arg3[%multiple_of3A_207] : memref<320000xi32, #tpu.memory_space<hbm>> -> memref<80xi32, #tpu.memory_space<hbm>>
    tpu.enqueue_dma source(%dma_start3A_213 : memref<80xi32, #tpu.memory_space<hbm>>) target(%arg10 : memref<80xi32, #tpu.memory_space<vmem>>) target_semaphore(%arg19 : memref<!tpu.dma_semaphore, #tpu.memory_space<semaphore_mem>>)
    %dma_wait3A_214 = arith.constant 0 : i32
    %dma_wait3A_215 = arith.constant 0 : i32
    %dma_wait3A_216 = tpu.memref_slice %arg2[%dma_wait3A_214, %dma_wait3A_215] : memref<320000x128xf32, #tpu.memory_space<hbm>> -> memref<80x128xf32, #tpu.memory_space<hbm>>
    %dma_wait3A_217 = arith.constant 0 : i32
    %dma_wait3A_218 = arith.constant 0 : i32
    %dma_wait3A_219 = tpu.memref_slice %arg2[%dma_wait3A_217, %dma_wait3A_218] : memref<320000x128xf32, #tpu.memory_space<hbm>> -> memref<80x128xf32, #tpu.memory_space<hbm>>
    tpu.wait_dma2 semaphore(%arg17 : memref<!tpu.dma_semaphore, #tpu.memory_space<semaphore_mem>>) src(%dma_wait3A_219 : memref<80x128xf32, #tpu.memory_space<hbm>>) dst(%arg8 : memref<80x128xf32, #tpu.memory_space<vmem>>)
    %dma_wait3A_220 = arith.constant 0 : i32
    %dma_wait3A_221 = tpu.memref_slice %arg3[%dma_wait3A_220] : memref<320000xi32, #tpu.memory_space<hbm>> -> memref<80xi32, #tpu.memory_space<hbm>>
    %dma_wait3A_222 = arith.constant 0 : i32
    %dma_wait3A_223 = tpu.memref_slice %arg3[%dma_wait3A_222] : memref<320000xi32, #tpu.memory_space<hbm>> -> memref<80xi32, #tpu.memory_space<hbm>>
    tpu.wait_dma2 semaphore(%arg21 : memref<!tpu.dma_semaphore, #tpu.memory_space<semaphore_mem>>) src(%dma_wait3A_223 : memref<80xi32, #tpu.memory_space<hbm>>) dst(%arg12 : memref<80xi32, #tpu.memory_space<vmem>>)
    %dma_start3A_224 = arith.constant 0 : i32
    %dma_start3A_225 = arith.constant 0 : i32
    %dma_start3A_226 = tpu.memref_slice %arg13[%dma_start3A_224, %dma_start3A_225] : memref<10000x128xf32, #tpu.memory_space<vmem_shared>> -> memref<10000x128xf32, #tpu.memory_space<vmem_shared>>
    tpu.enqueue_indirect_dma source(%arg8 : memref<80x128xf32, #tpu.memory_space<vmem>>) target(%dma_start3A_226 : memref<10000x128xf32, #tpu.memory_space<vmem_shared>>) offsets(%arg12 : memref<80xi32, #tpu.memory_space<vmem>>) semaphore(%arg25 : memref<!tpu.dma_semaphore, #tpu.memory_space<semaphore_mem>>) {add = true}
    %scan3A_227 = arith.constant 0 : i32
    %scan3A_228 = arith.constant 1 : i32
    %scan3A_229 = arith.constant 30 : i32
    %scan3A_230 = arith.addi %scan3A_228, %scan3A_229 : i32
    %scan3A_231 = arith.constant 1 : i32
    scf.for %scan3A_266 = %scan3A_228 to %scan3A_230 step %scan3A_231  : i32 {
      %mul3A_267 = arith.constant 4 : i32
      %mul3A_268 = arith.muli %mul3A_267, %scan3A_266 : i32
      %add3A_269 = arith.constant 0 : i32
      %add3A_270 = arith.addi %mul3A_268, %add3A_269 : i32
      %dma_wait3A_271 = arith.constant 0 : i32
      %dma_wait3A_272 = arith.constant 0 : i32
      %dma_wait3A_273 = tpu.memref_slice %arg13[%dma_wait3A_271, %dma_wait3A_272] : memref<10000x128xf32, #tpu.memory_space<vmem_shared>> -> memref<10000x128xf32, #tpu.memory_space<vmem_shared>>
      tpu.wait_indirect_dma semaphore(%arg24 : memref<!tpu.dma_semaphore, #tpu.memory_space<semaphore_mem>>) src(%arg7 : memref<80x128xf32, #tpu.memory_space<vmem>>) dst(%dma_wait3A_273 : memref<10000x128xf32, #tpu.memory_space<vmem_shared>>)
      %add3A_274 = arith.constant 2 : i32
      %add3A_275 = arith.addi %add3A_270, %add3A_274 : i32
      %lt3A_276 = arith.constant 125 : i32
      %lt3A_277 = arith.cmpi slt, %add3A_275, %lt3A_276 : i32
      %convert_element_type3A_278 = arith.extui %lt3A_277 : i1 to i32
      %cond3A_279 = arith.constant 0 : i32
      %cond3A_280 = arith.cmpi ne, %convert_element_type3A_278, %cond3A_279 : i32
      scf.if %cond3A_280 {
        %add3A_369 = arith.constant 2 : i32
        %add3A_370 = arith.addi %add3A_270, %add3A_369 : i32
        %mul3A_371 = arith.constant 80 : i32
        %mul3A_372 = arith.muli %add3A_370, %mul3A_371 : i32
        %add3A_373 = arith.addi %mul3A_4, %mul3A_372 : i32
        %multiple_of3A_374 = tpu.assume_multiple %add3A_373, 8 : i32
        %dma_start3A_375 = arith.constant 0 : i32
        %dma_start3A_376 = tpu.memref_slice %arg2[%multiple_of3A_374, %dma_start3A_375] : memref<320000x128xf32, #tpu.memory_space<hbm>> -> memref<80x128xf32, #tpu.memory_space<hbm>>
        %dma_start3A_377 = arith.constant 0 : i32
        %dma_start3A_378 = tpu.memref_slice %arg2[%multiple_of3A_374, %dma_start3A_377] : memref<320000x128xf32, #tpu.memory_space<hbm>> -> memref<80x128xf32, #tpu.memory_space<hbm>>
        tpu.enqueue_dma source(%dma_start3A_378 : memref<80x128xf32, #tpu.memory_space<hbm>>) target(%arg7 : memref<80x128xf32, #tpu.memory_space<vmem>>) target_semaphore(%arg16 : memref<!tpu.dma_semaphore, #tpu.memory_space<semaphore_mem>>)
        %dma_start3A_379 = tpu.memref_slice %arg3[%multiple_of3A_374] : memref<320000xi32, #tpu.memory_space<hbm>> -> memref<80xi32, #tpu.memory_space<hbm>>
        %dma_start3A_380 = tpu.memref_slice %arg3[%multiple_of3A_374] : memref<320000xi32, #tpu.memory_space<hbm>> -> memref<80xi32, #tpu.memory_space<hbm>>
        tpu.enqueue_dma source(%dma_start3A_380 : memref<80xi32, #tpu.memory_space<hbm>>) target(%arg11 : memref<80xi32, #tpu.memory_space<vmem>>) target_semaphore(%arg20 : memref<!tpu.dma_semaphore, #tpu.memory_space<semaphore_mem>>)
      } else {
      }
      %dma_wait3A_281 = arith.constant 0 : i32
      %dma_wait3A_282 = arith.constant 0 : i32
      %dma_wait3A_283 = tpu.memref_slice %arg2[%dma_wait3A_281, %dma_wait3A_282] : memref<320000x128xf32, #tpu.memory_space<hbm>> -> memref<80x128xf32, #tpu.memory_space<hbm>>
      %dma_wait3A_284 = arith.constant 0 : i32
      %dma_wait3A_285 = arith.constant 0 : i32
      %dma_wait3A_286 = tpu.memref_slice %arg2[%dma_wait3A_284, %dma_wait3A_285] : memref<320000x128xf32, #tpu.memory_space<hbm>> -> memref<80x128xf32, #tpu.memory_space<hbm>>
      tpu.wait_dma2 semaphore(%arg14 : memref<!tpu.dma_semaphore, #tpu.memory_space<semaphore_mem>>) src(%dma_wait3A_286 : memref<80x128xf32, #tpu.memory_space<hbm>>) dst(%arg5 : memref<80x128xf32, #tpu.memory_space<vmem>>)
      %dma_wait3A_287 = arith.constant 0 : i32
      %dma_wait3A_288 = tpu.memref_slice %arg3[%dma_wait3A_287] : memref<320000xi32, #tpu.memory_space<hbm>> -> memref<80xi32, #tpu.memory_space<hbm>>
      %dma_wait3A_289 = arith.constant 0 : i32
      %dma_wait3A_290 = tpu.memref_slice %arg3[%dma_wait3A_289] : memref<320000xi32, #tpu.memory_space<hbm>> -> memref<80xi32, #tpu.memory_space<hbm>>
      tpu.wait_dma2 semaphore(%arg18 : memref<!tpu.dma_semaphore, #tpu.memory_space<semaphore_mem>>) src(%dma_wait3A_290 : memref<80xi32, #tpu.memory_space<hbm>>) dst(%arg9 : memref<80xi32, #tpu.memory_space<vmem>>)
      %dma_start3A_291 = arith.constant 0 : i32
      %dma_start3A_292 = arith.constant 0 : i32
      %dma_start3A_293 = tpu.memref_slice %arg13[%dma_start3A_291, %dma_start3A_292] : memref<10000x128xf32, #tpu.memory_space<vmem_shared>> -> memref<10000x128xf32, #tpu.memory_space<vmem_shared>>
      tpu.enqueue_indirect_dma source(%arg5 : memref<80x128xf32, #tpu.memory_space<vmem>>) target(%dma_start3A_293 : memref<10000x128xf32, #tpu.memory_space<vmem_shared>>) offsets(%arg9 : memref<80xi32, #tpu.memory_space<vmem>>) semaphore(%arg22 : memref<!tpu.dma_semaphore, #tpu.memory_space<semaphore_mem>>) {add = true}
      %add3A_294 = arith.constant 1 : i32
      %add3A_295 = arith.addi %mul3A_268, %add3A_294 : i32
      %dma_wait3A_296 = arith.constant 0 : i32
      %dma_wait3A_297 = arith.constant 0 : i32
      %dma_wait3A_298 = tpu.memref_slice %arg13[%dma_wait3A_296, %dma_wait3A_297] : memref<10000x128xf32, #tpu.memory_space<vmem_shared>> -> memref<10000x128xf32, #tpu.memory_space<vmem_shared>>
      tpu.wait_indirect_dma semaphore(%arg25 : memref<!tpu.dma_semaphore, #tpu.memory_space<semaphore_mem>>) src(%arg8 : memref<80x128xf32, #tpu.memory_space<vmem>>) dst(%dma_wait3A_298 : memref<10000x128xf32, #tpu.memory_space<vmem_shared>>)
      %add3A_299 = arith.constant 2 : i32
      %add3A_300 = arith.addi %add3A_295, %add3A_299 : i32
      %lt3A_301 = arith.constant 125 : i32
      %lt3A_302 = arith.cmpi slt, %add3A_300, %lt3A_301 : i32
      %convert_element_type3A_303 = arith.extui %lt3A_302 : i1 to i32
      %cond3A_304 = arith.constant 0 : i32
      %cond3A_305 = arith.cmpi ne, %convert_element_type3A_303, %cond3A_304 : i32
      scf.if %cond3A_305 {
        %add3A_369 = arith.constant 2 : i32
        %add3A_370 = arith.addi %add3A_295, %add3A_369 : i32
        %mul3A_371 = arith.constant 80 : i32
        %mul3A_372 = arith.muli %add3A_370, %mul3A_371 : i32
        %add3A_373 = arith.addi %mul3A_4, %mul3A_372 : i32
        %multiple_of3A_374 = tpu.assume_multiple %add3A_373, 8 : i32
        %dma_start3A_375 = arith.constant 0 : i32
        %dma_start3A_376 = tpu.memref_slice %arg2[%multiple_of3A_374, %dma_start3A_375] : memref<320000x128xf32, #tpu.memory_space<hbm>> -> memref<80x128xf32, #tpu.memory_space<hbm>>
        %dma_start3A_377 = arith.constant 0 : i32
        %dma_start3A_378 = tpu.memref_slice %arg2[%multiple_of3A_374, %dma_start3A_377] : memref<320000x128xf32, #tpu.memory_space<hbm>> -> memref<80x128xf32, #tpu.memory_space<hbm>>
        tpu.enqueue_dma source(%dma_start3A_378 : memref<80x128xf32, #tpu.memory_space<hbm>>) target(%arg8 : memref<80x128xf32, #tpu.memory_space<vmem>>) target_semaphore(%arg17 : memref<!tpu.dma_semaphore, #tpu.memory_space<semaphore_mem>>)
        %dma_start3A_379 = tpu.memref_slice %arg3[%multiple_of3A_374] : memref<320000xi32, #tpu.memory_space<hbm>> -> memref<80xi32, #tpu.memory_space<hbm>>
        %dma_start3A_380 = tpu.memref_slice %arg3[%multiple_of3A_374] : memref<320000xi32, #tpu.memory_space<hbm>> -> memref<80xi32, #tpu.memory_space<hbm>>
        tpu.enqueue_dma source(%dma_start3A_380 : memref<80xi32, #tpu.memory_space<hbm>>) target(%arg12 : memref<80xi32, #tpu.memory_space<vmem>>) target_semaphore(%arg21 : memref<!tpu.dma_semaphore, #tpu.memory_space<semaphore_mem>>)
      } else {
      }
      %dma_wait3A_306 = arith.constant 0 : i32
      %dma_wait3A_307 = arith.constant 0 : i32
      %dma_wait3A_308 = tpu.memref_slice %arg2[%dma_wait3A_306, %dma_wait3A_307] : memref<320000x128xf32, #tpu.memory_space<hbm>> -> memref<80x128xf32, #tpu.memory_space<hbm>>
      %dma_wait3A_309 = arith.constant 0 : i32
      %dma_wait3A_310 = arith.constant 0 : i32
      %dma_wait3A_311 = tpu.memref_slice %arg2[%dma_wait3A_309, %dma_wait3A_310] : memref<320000x128xf32, #tpu.memory_space<hbm>> -> memref<80x128xf32, #tpu.memory_space<hbm>>
      tpu.wait_dma2 semaphore(%arg15 : memref<!tpu.dma_semaphore, #tpu.memory_space<semaphore_mem>>) src(%dma_wait3A_311 : memref<80x128xf32, #tpu.memory_space<hbm>>) dst(%arg6 : memref<80x128xf32, #tpu.memory_space<vmem>>)
      %dma_wait3A_312 = arith.constant 0 : i32
      %dma_wait3A_313 = tpu.memref_slice %arg3[%dma_wait3A_312] : memref<320000xi32, #tpu.memory_space<hbm>> -> memref<80xi32, #tpu.memory_space<hbm>>
      %dma_wait3A_314 = arith.constant 0 : i32
      %dma_wait3A_315 = tpu.memref_slice %arg3[%dma_wait3A_314] : memref<320000xi32, #tpu.memory_space<hbm>> -> memref<80xi32, #tpu.memory_space<hbm>>
      tpu.wait_dma2 semaphore(%arg19 : memref<!tpu.dma_semaphore, #tpu.memory_space<semaphore_mem>>) src(%dma_wait3A_315 : memref<80xi32, #tpu.memory_space<hbm>>) dst(%arg10 : memref<80xi32, #tpu.memory_space<vmem>>)
      %dma_start3A_316 = arith.constant 0 : i32
      %dma_start3A_317 = arith.constant 0 : i32
      %dma_start3A_318 = tpu.memref_slice %arg13[%dma_start3A_316, %dma_start3A_317] : memref<10000x128xf32, #tpu.memory_space<vmem_shared>> -> memref<10000x128xf32, #tpu.memory_space<vmem_shared>>
      tpu.enqueue_indirect_dma source(%arg6 : memref<80x128xf32, #tpu.memory_space<vmem>>) target(%dma_start3A_318 : memref<10000x128xf32, #tpu.memory_space<vmem_shared>>) offsets(%arg10 : memref<80xi32, #tpu.memory_space<vmem>>) semaphore(%arg23 : memref<!tpu.dma_semaphore, #tpu.memory_space<semaphore_mem>>) {add = true}
      %add3A_319 = arith.constant 2 : i32
      %add3A_320 = arith.addi %mul3A_268, %add3A_319 : i32
      %dma_wait3A_321 = arith.constant 0 : i32
      %dma_wait3A_322 = arith.constant 0 : i32
      %dma_wait3A_323 = tpu.memref_slice %arg13[%dma_wait3A_321, %dma_wait3A_322] : memref<10000x128xf32, #tpu.memory_space<vmem_shared>> -> memref<10000x128xf32, #tpu.memory_space<vmem_shared>>
      tpu.wait_indirect_dma semaphore(%arg22 : memref<!tpu.dma_semaphore, #tpu.memory_space<semaphore_mem>>) src(%arg5 : memref<80x128xf32, #tpu.memory_space<vmem>>) dst(%dma_wait3A_323 : memref<10000x128xf32, #tpu.memory_space<vmem_shared>>)
      %add3A_324 = arith.constant 2 : i32
      %add3A_325 = arith.addi %add3A_320, %add3A_324 : i32
      %lt3A_326 = arith.constant 125 : i32
      %lt3A_327 = arith.cmpi slt, %add3A_325, %lt3A_326 : i32
      %convert_element_type3A_328 = arith.extui %lt3A_327 : i1 to i32
      %cond3A_329 = arith.constant 0 : i32
      %cond3A_330 = arith.cmpi ne, %convert_element_type3A_328, %cond3A_329 : i32
      scf.if %cond3A_330 {
        %add3A_369 = arith.constant 2 : i32
        %add3A_370 = arith.addi %add3A_320, %add3A_369 : i32
        %mul3A_371 = arith.constant 80 : i32
        %mul3A_372 = arith.muli %add3A_370, %mul3A_371 : i32
        %add3A_373 = arith.addi %mul3A_4, %mul3A_372 : i32
        %multiple_of3A_374 = tpu.assume_multiple %add3A_373, 8 : i32
        %dma_start3A_375 = arith.constant 0 : i32
        %dma_start3A_376 = tpu.memref_slice %arg2[%multiple_of3A_374, %dma_start3A_375] : memref<320000x128xf32, #tpu.memory_space<hbm>> -> memref<80x128xf32, #tpu.memory_space<hbm>>
        %dma_start3A_377 = arith.constant 0 : i32
        %dma_start3A_378 = tpu.memref_slice %arg2[%multiple_of3A_374, %dma_start3A_377] : memref<320000x128xf32, #tpu.memory_space<hbm>> -> memref<80x128xf32, #tpu.memory_space<hbm>>
        tpu.enqueue_dma source(%dma_start3A_378 : memref<80x128xf32, #tpu.memory_space<hbm>>) target(%arg5 : memref<80x128xf32, #tpu.memory_space<vmem>>) target_semaphore(%arg14 : memref<!tpu.dma_semaphore, #tpu.memory_space<semaphore_mem>>)
        %dma_start3A_379 = tpu.memref_slice %arg3[%multiple_of3A_374] : memref<320000xi32, #tpu.memory_space<hbm>> -> memref<80xi32, #tpu.memory_space<hbm>>
        %dma_start3A_380 = tpu.memref_slice %arg3[%multiple_of3A_374] : memref<320000xi32, #tpu.memory_space<hbm>> -> memref<80xi32, #tpu.memory_space<hbm>>
        tpu.enqueue_dma source(%dma_start3A_380 : memref<80xi32, #tpu.memory_space<hbm>>) target(%arg9 : memref<80xi32, #tpu.memory_space<vmem>>) target_semaphore(%arg18 : memref<!tpu.dma_semaphore, #tpu.memory_space<semaphore_mem>>)
      } else {
      }
      %dma_wait3A_331 = arith.constant 0 : i32
      %dma_wait3A_332 = arith.constant 0 : i32
      %dma_wait3A_333 = tpu.memref_slice %arg2[%dma_wait3A_331, %dma_wait3A_332] : memref<320000x128xf32, #tpu.memory_space<hbm>> -> memref<80x128xf32, #tpu.memory_space<hbm>>
      %dma_wait3A_334 = arith.constant 0 : i32
      %dma_wait3A_335 = arith.constant 0 : i32
      %dma_wait3A_336 = tpu.memref_slice %arg2[%dma_wait3A_334, %dma_wait3A_335] : memref<320000x128xf32, #tpu.memory_space<hbm>> -> memref<80x128xf32, #tpu.memory_space<hbm>>
      tpu.wait_dma2 semaphore(%arg16 : memref<!tpu.dma_semaphore, #tpu.memory_space<semaphore_mem>>) src(%dma_wait3A_336 : memref<80x128xf32, #tpu.memory_space<hbm>>) dst(%arg7 : memref<80x128xf32, #tpu.memory_space<vmem>>)
      %dma_wait3A_337 = arith.constant 0 : i32
      %dma_wait3A_338 = tpu.memref_slice %arg3[%dma_wait3A_337] : memref<320000xi32, #tpu.memory_space<hbm>> -> memref<80xi32, #tpu.memory_space<hbm>>
      %dma_wait3A_339 = arith.constant 0 : i32
      %dma_wait3A_340 = tpu.memref_slice %arg3[%dma_wait3A_339] : memref<320000xi32, #tpu.memory_space<hbm>> -> memref<80xi32, #tpu.memory_space<hbm>>
      tpu.wait_dma2 semaphore(%arg20 : memref<!tpu.dma_semaphore, #tpu.memory_space<semaphore_mem>>) src(%dma_wait3A_340 : memref<80xi32, #tpu.memory_space<hbm>>) dst(%arg11 : memref<80xi32, #tpu.memory_space<vmem>>)
      %dma_start3A_341 = arith.constant 0 : i32
      %dma_start3A_342 = arith.constant 0 : i32
      %dma_start3A_343 = tpu.memref_slice %arg13[%dma_start3A_341, %dma_start3A_342] : memref<10000x128xf32, #tpu.memory_space<vmem_shared>> -> memref<10000x128xf32, #tpu.memory_space<vmem_shared>>
      tpu.enqueue_indirect_dma source(%arg7 : memref<80x128xf32, #tpu.memory_space<vmem>>) target(%dma_start3A_343 : memref<10000x128xf32, #tpu.memory_space<vmem_shared>>) offsets(%arg11 : memref<80xi32, #tpu.memory_space<vmem>>) semaphore(%arg24 : memref<!tpu.dma_semaphore, #tpu.memory_space<semaphore_mem>>) {add = true}
      %add3A_344 = arith.constant 3 : i32
      %add3A_345 = arith.addi %mul3A_268, %add3A_344 : i32
      %dma_wait3A_346 = arith.constant 0 : i32
      %dma_wait3A_347 = arith.constant 0 : i32
      %dma_wait3A_348 = tpu.memref_slice %arg13[%dma_wait3A_346, %dma_wait3A_347] : memref<10000x128xf32, #tpu.memory_space<vmem_shared>> -> memref<10000x128xf32, #tpu.memory_space<vmem_shared>>
      tpu.wait_indirect_dma semaphore(%arg23 : memref<!tpu.dma_semaphore, #tpu.memory_space<semaphore_mem>>) src(%arg6 : memref<80x128xf32, #tpu.memory_space<vmem>>) dst(%dma_wait3A_348 : memref<10000x128xf32, #tpu.memory_space<vmem_shared>>)
      %add3A_349 = arith.constant 2 : i32
      %add3A_350 = arith.addi %add3A_345, %add3A_349 : i32
      %lt3A_351 = arith.constant 125 : i32
      %lt3A_352 = arith.cmpi slt, %add3A_350, %lt3A_351 : i32
      %convert_element_type3A_353 = arith.extui %lt3A_352 : i1 to i32
      %cond3A_354 = arith.constant 0 : i32
      %cond3A_355 = arith.cmpi ne, %convert_element_type3A_353, %cond3A_354 : i32
      scf.if %cond3A_355 {
        %add3A_369 = arith.constant 2 : i32
        %add3A_370 = arith.addi %add3A_345, %add3A_369 : i32
        %mul3A_371 = arith.constant 80 : i32
        %mul3A_372 = arith.muli %add3A_370, %mul3A_371 : i32
        %add3A_373 = arith.addi %mul3A_4, %mul3A_372 : i32
        %multiple_of3A_374 = tpu.assume_multiple %add3A_373, 8 : i32
        %dma_start3A_375 = arith.constant 0 : i32
        %dma_start3A_376 = tpu.memref_slice %arg2[%multiple_of3A_374, %dma_start3A_375] : memref<320000x128xf32, #tpu.memory_space<hbm>> -> memref<80x128xf32, #tpu.memory_space<hbm>>
        %dma_start3A_377 = arith.constant 0 : i32
        %dma_start3A_378 = tpu.memref_slice %arg2[%multiple_of3A_374, %dma_start3A_377] : memref<320000x128xf32, #tpu.memory_space<hbm>> -> memref<80x128xf32, #tpu.memory_space<hbm>>
        tpu.enqueue_dma source(%dma_start3A_378 : memref<80x128xf32, #tpu.memory_space<hbm>>) target(%arg6 : memref<80x128xf32, #tpu.memory_space<vmem>>) target_semaphore(%arg15 : memref<!tpu.dma_semaphore, #tpu.memory_space<semaphore_mem>>)
        %dma_start3A_379 = tpu.memref_slice %arg3[%multiple_of3A_374] : memref<320000xi32, #tpu.memory_space<hbm>> -> memref<80xi32, #tpu.memory_space<hbm>>
        %dma_start3A_380 = tpu.memref_slice %arg3[%multiple_of3A_374] : memref<320000xi32, #tpu.memory_space<hbm>> -> memref<80xi32, #tpu.memory_space<hbm>>
        tpu.enqueue_dma source(%dma_start3A_380 : memref<80xi32, #tpu.memory_space<hbm>>) target(%arg10 : memref<80xi32, #tpu.memory_space<vmem>>) target_semaphore(%arg19 : memref<!tpu.dma_semaphore, #tpu.memory_space<semaphore_mem>>)
      } else {
      }
      %dma_wait3A_356 = arith.constant 0 : i32
      %dma_wait3A_357 = arith.constant 0 : i32
      %dma_wait3A_358 = tpu.memref_slice %arg2[%dma_wait3A_356, %dma_wait3A_357] : memref<320000x128xf32, #tpu.memory_space<hbm>> -> memref<80x128xf32, #tpu.memory_space<hbm>>
      %dma_wait3A_359 = arith.constant 0 : i32
      %dma_wait3A_360 = arith.constant 0 : i32
      %dma_wait3A_361 = tpu.memref_slice %arg2[%dma_wait3A_359, %dma_wait3A_360] : memref<320000x128xf32, #tpu.memory_space<hbm>> -> memref<80x128xf32, #tpu.memory_space<hbm>>
      tpu.wait_dma2 semaphore(%arg17 : memref<!tpu.dma_semaphore, #tpu.memory_space<semaphore_mem>>) src(%dma_wait3A_361 : memref<80x128xf32, #tpu.memory_space<hbm>>) dst(%arg8 : memref<80x128xf32, #tpu.memory_space<vmem>>)
      %dma_wait3A_362 = arith.constant 0 : i32
      %dma_wait3A_363 = tpu.memref_slice %arg3[%dma_wait3A_362] : memref<320000xi32, #tpu.memory_space<hbm>> -> memref<80xi32, #tpu.memory_space<hbm>>
      %dma_wait3A_364 = arith.constant 0 : i32
      %dma_wait3A_365 = tpu.memref_slice %arg3[%dma_wait3A_364] : memref<320000xi32, #tpu.memory_space<hbm>> -> memref<80xi32, #tpu.memory_space<hbm>>
      tpu.wait_dma2 semaphore(%arg21 : memref<!tpu.dma_semaphore, #tpu.memory_space<semaphore_mem>>) src(%dma_wait3A_365 : memref<80xi32, #tpu.memory_space<hbm>>) dst(%arg12 : memref<80xi32, #tpu.memory_space<vmem>>)
      %dma_start3A_366 = arith.constant 0 : i32
      %dma_start3A_367 = arith.constant 0 : i32
      %dma_start3A_368 = tpu.memref_slice %arg13[%dma_start3A_366, %dma_start3A_367] : memref<10000x128xf32, #tpu.memory_space<vmem_shared>> -> memref<10000x128xf32, #tpu.memory_space<vmem_shared>>
      tpu.enqueue_indirect_dma source(%arg8 : memref<80x128xf32, #tpu.memory_space<vmem>>) target(%dma_start3A_368 : memref<10000x128xf32, #tpu.memory_space<vmem_shared>>) offsets(%arg12 : memref<80xi32, #tpu.memory_space<vmem>>) semaphore(%arg25 : memref<!tpu.dma_semaphore, #tpu.memory_space<semaphore_mem>>) {add = true}
    }
    %scan3A_232 = arith.constant 30 : i32
    %dma_wait3A_233 = arith.constant 0 : i32
    %dma_wait3A_234 = arith.constant 0 : i32
    %dma_wait3A_235 = tpu.memref_slice %arg13[%dma_wait3A_233, %dma_wait3A_234] : memref<10000x128xf32, #tpu.memory_space<vmem_shared>> -> memref<10000x128xf32, #tpu.memory_space<vmem_shared>>
    tpu.wait_indirect_dma semaphore(%arg24 : memref<!tpu.dma_semaphore, #tpu.memory_space<semaphore_mem>>) src(%arg7 : memref<80x128xf32, #tpu.memory_space<vmem>>) dst(%dma_wait3A_235 : memref<10000x128xf32, #tpu.memory_space<vmem_shared>>)
    %dma_wait3A_236 = arith.constant 0 : i32
    %dma_wait3A_237 = arith.constant 0 : i32
    %dma_wait3A_238 = tpu.memref_slice %arg2[%dma_wait3A_236, %dma_wait3A_237] : memref<320000x128xf32, #tpu.memory_space<hbm>> -> memref<80x128xf32, #tpu.memory_space<hbm>>
    %dma_wait3A_239 = arith.constant 0 : i32
    %dma_wait3A_240 = arith.constant 0 : i32
    %dma_wait3A_241 = tpu.memref_slice %arg2[%dma_wait3A_239, %dma_wait3A_240] : memref<320000x128xf32, #tpu.memory_space<hbm>> -> memref<80x128xf32, #tpu.memory_space<hbm>>
    tpu.wait_dma2 semaphore(%arg14 : memref<!tpu.dma_semaphore, #tpu.memory_space<semaphore_mem>>) src(%dma_wait3A_241 : memref<80x128xf32, #tpu.memory_space<hbm>>) dst(%arg5 : memref<80x128xf32, #tpu.memory_space<vmem>>)
    %dma_wait3A_242 = arith.constant 0 : i32
    %dma_wait3A_243 = tpu.memref_slice %arg3[%dma_wait3A_242] : memref<320000xi32, #tpu.memory_space<hbm>> -> memref<80xi32, #tpu.memory_space<hbm>>
    %dma_wait3A_244 = arith.constant 0 : i32
    %dma_wait3A_245 = tpu.memref_slice %arg3[%dma_wait3A_244] : memref<320000xi32, #tpu.memory_space<hbm>> -> memref<80xi32, #tpu.memory_space<hbm>>
    tpu.wait_dma2 semaphore(%arg18 : memref<!tpu.dma_semaphore, #tpu.memory_space<semaphore_mem>>) src(%dma_wait3A_245 : memref<80xi32, #tpu.memory_space<hbm>>) dst(%arg9 : memref<80xi32, #tpu.memory_space<vmem>>)
    %dma_start3A_246 = arith.constant 0 : i32
    %dma_start3A_247 = arith.constant 0 : i32
    %dma_start3A_248 = tpu.memref_slice %arg13[%dma_start3A_246, %dma_start3A_247] : memref<10000x128xf32, #tpu.memory_space<vmem_shared>> -> memref<10000x128xf32, #tpu.memory_space<vmem_shared>>
    tpu.enqueue_indirect_dma source(%arg5 : memref<80x128xf32, #tpu.memory_space<vmem>>) target(%dma_start3A_248 : memref<10000x128xf32, #tpu.memory_space<vmem_shared>>) offsets(%arg9 : memref<80xi32, #tpu.memory_space<vmem>>) semaphore(%arg22 : memref<!tpu.dma_semaphore, #tpu.memory_space<semaphore_mem>>) {add = true}
    %dma_wait3A_249 = arith.constant 0 : i32
    %dma_wait3A_250 = arith.constant 0 : i32
    %dma_wait3A_251 = tpu.memref_slice %arg13[%dma_wait3A_249, %dma_wait3A_250] : memref<10000x128xf32, #tpu.memory_space<vmem_shared>> -> memref<10000x128xf32, #tpu.memory_space<vmem_shared>>
    tpu.wait_indirect_dma semaphore(%arg25 : memref<!tpu.dma_semaphore, #tpu.memory_space<semaphore_mem>>) src(%arg8 : memref<80x128xf32, #tpu.memory_space<vmem>>) dst(%dma_wait3A_251 : memref<10000x128xf32, #tpu.memory_space<vmem_shared>>)
    %dma_wait3A_252 = arith.constant 0 : i32
    %dma_wait3A_253 = arith.constant 0 : i32
    %dma_wait3A_254 = tpu.memref_slice %arg13[%dma_wait3A_252, %dma_wait3A_253] : memref<10000x128xf32, #tpu.memory_space<vmem_shared>> -> memref<10000x128xf32, #tpu.memory_space<vmem_shared>>
    tpu.wait_indirect_dma semaphore(%arg22 : memref<!tpu.dma_semaphore, #tpu.memory_space<semaphore_mem>>) src(%arg5 : memref<80x128xf32, #tpu.memory_space<vmem>>) dst(%dma_wait3A_254 : memref<10000x128xf32, #tpu.memory_space<vmem_shared>>)
    %barrier3A_255 = arith.constant 0 : index
    tpu.barrier barrier_id(%barrier3A_255)
    %lt3A_256 = arith.constant 15 : i32
    %lt3A_257 = arith.cmpi slt, %arg1, %lt3A_256 : i32
    %convert_element_type3A_258 = arith.extui %lt3A_257 : i1 to i32
    %cond3A_259 = arith.constant 0 : i32
    %cond3A_260 = arith.cmpi ne, %convert_element_type3A_258, %cond3A_259 : i32
    scf.if %cond3A_260 {
      "tpu.region"() ({
        %run_scoped3A = tpu.sem_alloc : memref<!tpu.dma_semaphore, #tpu.memory_space<semaphore_mem>>
        %dma_start3A_266 = arith.constant 0 : i32
        %dma_start3A_267 = tpu.memref_slice %arg4[%arg0, %multiple_of3A, %dma_start3A_266] : memref<2x10000x128xf32, #tpu.memory_space<hbm>> -> memref<1x624x128xf32, #tpu.memory_space<hbm>>
        %dma_start3A_268 = tpu.memref_squeeze %dma_start3A_267 : memref<1x624x128xf32, #tpu.memory_space<hbm>> -> memref<624x128xf32, #tpu.memory_space<hbm>>
        %dma_start3A_269 = arith.constant 0 : i32
        %dma_start3A_270 = tpu.memref_slice %arg13[%multiple_of3A, %dma_start3A_269] : memref<10000x128xf32, #tpu.memory_space<vmem_shared>> -> memref<624x128xf32, #tpu.memory_space<vmem_shared>>
        tpu.enqueue_dma source(%dma_start3A_270 : memref<624x128xf32, #tpu.memory_space<vmem_shared>>) target(%dma_start3A_268 : memref<624x128xf32, #tpu.memory_space<hbm>>) target_semaphore(%run_scoped3A : memref<!tpu.dma_semaphore, #tpu.memory_space<semaphore_mem>>)
        %dma_wait3A_271 = arith.constant 0 : i32
        %dma_wait3A_272 = tpu.memref_slice %arg4[%arg0, %multiple_of3A, %dma_wait3A_271] : memref<2x10000x128xf32, #tpu.memory_space<hbm>> -> memref<1x624x128xf32, #tpu.memory_space<hbm>>
        %dma_wait3A_273 = tpu.memref_squeeze %dma_wait3A_272 : memref<1x624x128xf32, #tpu.memory_space<hbm>> -> memref<624x128xf32, #tpu.memory_space<hbm>>
        %dma_wait3A_274 = arith.constant 0 : i32
        %dma_wait3A_275 = tpu.memref_slice %arg13[%multiple_of3A, %dma_wait3A_274] : memref<10000x128xf32, #tpu.memory_space<vmem_shared>> -> memref<624x128xf32, #tpu.memory_space<vmem_shared>>
        tpu.wait_dma2 semaphore(%run_scoped3A : memref<!tpu.dma_semaphore, #tpu.memory_space<semaphore_mem>>) src(%dma_wait3A_275 : memref<624x128xf32, #tpu.memory_space<vmem_shared>>) dst(%dma_wait3A_273 : memref<624x128xf32, #tpu.memory_space<hbm>>)
        tpu.yield
      }) : () -> ()
    } else {
    }
    %eq3A_261 = arith.constant 15 : i32
    %eq3A_262 = arith.cmpi eq, %arg1, %eq3A_261 : i32
    %convert_element_type3A_263 = arith.extui %eq3A_262 : i1 to i32
    %cond3A_264 = arith.constant 0 : i32
    %cond3A_265 = arith.cmpi ne, %convert_element_type3A_263, %cond3A_264 : i32
    scf.if %cond3A_265 {
      "tpu.region"() ({
        %run_scoped3A = tpu.sem_alloc : memref<!tpu.dma_semaphore, #tpu.memory_space<semaphore_mem>>
        %dma_start3A_266 = arith.constant 0 : i32
        %dma_start3A_267 = tpu.memref_slice %arg4[%arg0, %multiple_of3A, %dma_start3A_266] : memref<2x10000x128xf32, #tpu.memory_space<hbm>> -> memref<1x640x128xf32, #tpu.memory_space<hbm>>
        %dma_start3A_268 = tpu.memref_squeeze %dma_start3A_267 : memref<1x640x128xf32, #tpu.memory_space<hbm>> -> memref<640x128xf32, #tpu.memory_space<hbm>>
        %dma_start3A_269 = arith.constant 0 : i32
        %dma_start3A_270 = tpu.memref_slice %arg13[%multiple_of3A, %dma_start3A_269] : memref<10000x128xf32, #tpu.memory_space<vmem_shared>> -> memref<640x128xf32, #tpu.memory_space<vmem_shared>>
        tpu.enqueue_dma source(%dma_start3A_270 : memref<640x128xf32, #tpu.memory_space<vmem_shared>>) target(%dma_start3A_268 : memref<640x128xf32, #tpu.memory_space<hbm>>) target_semaphore(%run_scoped3A : memref<!tpu.dma_semaphore, #tpu.memory_space<semaphore_mem>>)
        %dma_wait3A_271 = arith.constant 0 : i32
        %dma_wait3A_272 = tpu.memref_slice %arg4[%arg0, %multiple_of3A, %dma_wait3A_271] : memref<2x10000x128xf32, #tpu.memory_space<hbm>> -> memref<1x640x128xf32, #tpu.memory_space<hbm>>
        %dma_wait3A_273 = tpu.memref_squeeze %dma_wait3A_272 : memref<1x640x128xf32, #tpu.memory_space<hbm>> -> memref<640x128xf32, #tpu.memory_space<hbm>>
        %dma_wait3A_274 = arith.constant 0 : i32
        %dma_wait3A_275 = tpu.memref_slice %arg13[%multiple_of3A, %dma_wait3A_274] : memref<10000x128xf32, #tpu.memory_space<vmem_shared>> -> memref<640x128xf32, #tpu.memory_space<vmem_shared>>
        tpu.wait_dma2 semaphore(%run_scoped3A : memref<!tpu.dma_semaphore, #tpu.memory_space<semaphore_mem>>) src(%dma_wait3A_275 : memref<640x128xf32, #tpu.memory_space<vmem_shared>>) dst(%dma_wait3A_273 : memref<640x128xf32, #tpu.memory_space<hbm>>)
        tpu.yield
      }) : () -> ()
    } else {
    }
    return
  }
}

module attributes {stable_mosaic.version = 14 : i64} {
  func.func @_edge_mlp_body(%arg0: i32, %arg1: memref<144x2560xf32, #tpu.memory_space<vmem>>, %arg2: memref<144x128xf32, #tpu.memory_space<vmem>>, %arg3: memref<1x128xf32, #tpu.memory_space<vmem>>, %arg4: memref<2560x128xf32, #tpu.memory_space<vmem>>) attributes {dimension_semantics = [#tpu.dimension_semantics<arbitrary>], iteration_bounds = array<i64: 125>, scalar_prefetch = 0 : i64, scratch_operands = 0 : i64, tpu.core_type = #tpu.core_type<tc>, window_params = [{transform_indices = @transform_0, window_bounds = array<i64: 144, 2560>}, {pipeline_mode = #tpu.pipeline_mode<synchronous>, transform_indices = @transform_1, window_bounds = array<i64: 144, 128>}, {pipeline_mode = #tpu.pipeline_mode<synchronous>, transform_indices = @transform_2, window_bounds = array<i64: 1, 128>}, {transform_indices = @transform_3, window_bounds = array<i64: 2560, 128>}]} {
    %get3A = arith.constant 0 : index
    %get3A_0 = arith.constant 0 : index
    %get3A_1 = vector.load %arg1[%get3A, %get3A_0] : memref<144x2560xf32, #tpu.memory_space<vmem>>, vector<144x2560xf32>
    %get3A_2 = arith.constant 0 : index
    %get3A_3 = arith.constant 0 : index
    %get3A_4 = vector.load %arg2[%get3A_2, %get3A_3] : memref<144x128xf32, #tpu.memory_space<vmem>>, vector<144x128xf32>
    %dot_general3A = arith.constant dense<0.000000e+00> : vector<2560x128xf32>
    %dot_general3A_5 = tpu.matmul %get3A_1, %get3A_4, %dot_general3A {dimension_numbers = #tpu.dot_dimension_numbers<[0], [0], [1], [1], [0, 1, 1, 1], [], []>, transpose_lhs_hint = false} : vector<144x2560xf32>, vector<144x128xf32>, vector<2560x128xf32> -> vector<2560x128xf32>
    %get3A_6 = arith.constant 0 : index
    %get3A_7 = arith.constant 0 : index
    %get3A_8 = vector.load %arg3[%get3A_6, %get3A_7] : memref<1x128xf32, #tpu.memory_space<vmem>>, vector<1x128xf32>
    %add3A = vector.broadcast %get3A_8 : vector<1x128xf32> to vector<2560x128xf32>
    %add3A_9 = arith.addf %dot_general3A_5, %add3A : vector<2560x128xf32>
    %mul3A = arith.constant 5.000000e-01 : f32
    %mul3A_10 = vector.broadcast %mul3A : f32 to vector<2560x128xf32>
    %mul3A_11 = arith.mulf %add3A_9, %mul3A_10 : vector<2560x128xf32>
    %mul3A_12 = arith.constant 0.707106769 : f32
    %mul3A_13 = vector.broadcast %mul3A_12 : f32 to vector<2560x128xf32>
    %mul3A_14 = arith.mulf %add3A_9, %mul3A_13 : vector<2560x128xf32>
    %erf3A = math.erf %mul3A_14 : vector<2560x128xf32>
    %add3A_15 = arith.constant 1.000000e+00 : f32
    %add3A_16 = vector.broadcast %add3A_15 : f32 to vector<2560x128xf32>
    %add3A_17 = arith.addf %add3A_16, %erf3A : vector<2560x128xf32>
    %mul3A_18 = arith.mulf %mul3A_11, %add3A_17 : vector<2560x128xf32>
    %swap3A = arith.constant 0 : index
    %swap3A_19 = arith.constant 0 : index
    %swap3A_20 = vector.load %arg4[%swap3A, %swap3A_19] : memref<2560x128xf32, #tpu.memory_space<vmem>>, vector<2560x128xf32>
    tpu.vector_store %arg4[%swap3A, %swap3A_19], %mul3A_18 {strides = array<i32>} : memref<2560x128xf32, #tpu.memory_space<vmem>>, vector<2560x128xf32>,
    return
  }
  func.func @transform_0(%arg0: i32) -> (i32, i32) {
    %c0_i32 = arith.constant 0 : i32
    %c0_i32_0 = arith.constant 0 : i32
    return %c0_i32, %arg0 : i32, i32
  }
  func.func @transform_1(%arg0: i32) -> (i32, i32) {
    %c0_i32 = arith.constant 0 : i32
    %c0_i32_0 = arith.constant 0 : i32
    %c0_i32_1 = arith.constant 0 : i32
    return %c0_i32, %c0_i32_0 : i32, i32
  }
  func.func @transform_2(%arg0: i32) -> (i32, i32) {
    %c0_i32 = arith.constant 0 : i32
    %c0_i32_0 = arith.constant 0 : i32
    %c0_i32_1 = arith.constant 0 : i32
    return %c0_i32, %c0_i32_0 : i32, i32
  }
  func.func @transform_3(%arg0: i32) -> (i32, i32) {
    %c0_i32 = arith.constant 0 : i32
    %c0_i32_0 = arith.constant 0 : i32
    return %arg0, %c0_i32 : i32, i32
  }
}

module attributes {stable_mosaic.version = 14 : i64} {
  func.func @_final_body(%arg0: i32, %arg1: memref<2000x128xf32, #tpu.memory_space<vmem>>, %arg2: memref<2000x128xf32, #tpu.memory_space<vmem>>, %arg3: memref<2000x128xf32, #tpu.memory_space<vmem>>, %arg4: memref<128x128xf32, #tpu.memory_space<vmem>>, %arg5: memref<1x128xf32, #tpu.memory_space<vmem>>, %arg6: memref<128x128xf32, #tpu.memory_space<vmem>>, %arg7: memref<1x128xf32, #tpu.memory_space<vmem>>, %arg8: memref<1x128xf32, #tpu.memory_space<vmem>>, %arg9: memref<1x128xf32, #tpu.memory_space<vmem>>, %arg10: memref<1x128xf32, #tpu.memory_space<vmem>>, %arg11: memref<1x128xf32, #tpu.memory_space<vmem>>, %arg12: memref<2000x128xf32, #tpu.memory_space<vmem>>) attributes {dimension_semantics = [#tpu.dimension_semantics<arbitrary>], iteration_bounds = array<i64: 5>, scalar_prefetch = 0 : i64, scratch_operands = 0 : i64, tpu.core_type = #tpu.core_type<tc>, window_params = [{transform_indices = @transform_0, window_bounds = array<i64: 2000, 128>}, {transform_indices = @transform_1, window_bounds = array<i64: 2000, 128>}, {transform_indices = @transform_2, window_bounds = array<i64: 2000, 128>}, {pipeline_mode = #tpu.pipeline_mode<synchronous>, transform_indices = @transform_3, window_bounds = array<i64: 128, 128>}, {pipeline_mode = #tpu.pipeline_mode<synchronous>, transform_indices = @transform_4, window_bounds = array<i64: 1, 128>}, {pipeline_mode = #tpu.pipeline_mode<synchronous>, transform_indices = @transform_5, window_bounds = array<i64: 128, 128>}, {pipeline_mode = #tpu.pipeline_mode<synchronous>, transform_indices = @transform_6, window_bounds = array<i64: 1, 128>}, {pipeline_mode = #tpu.pipeline_mode<synchronous>, transform_indices = @transform_7, window_bounds = array<i64: 1, 128>}, {pipeline_mode = #tpu.pipeline_mode<synchronous>, transform_indices = @transform_8, window_bounds = array<i64: 1, 128>}, {pipeline_mode = #tpu.pipeline_mode<synchronous>, transform_indices = @transform_9, window_bounds = array<i64: 1, 128>}, {pipeline_mode = #tpu.pipeline_mode<synchronous>, transform_indices = @transform_10, window_bounds = array<i64: 1, 128>}, {transform_indices = @transform_11, window_bounds = array<i64: 2000, 128>}]} {
    %get3A = arith.constant 0 : index
    %get3A_0 = arith.constant 0 : index
    %get3A_1 = vector.load %arg1[%get3A, %get3A_0] : memref<2000x128xf32, #tpu.memory_space<vmem>>, vector<2000x128xf32>
    %get3A_2 = arith.constant 0 : index
    %get3A_3 = arith.constant 0 : index
    %get3A_4 = vector.load %arg2[%get3A_2, %get3A_3] : memref<2000x128xf32, #tpu.memory_space<vmem>>, vector<2000x128xf32>
    %get3A_5 = arith.constant 0 : index
    %get3A_6 = arith.constant 0 : index
    %get3A_7 = vector.load %arg3[%get3A_5, %get3A_6] : memref<2000x128xf32, #tpu.memory_space<vmem>>, vector<2000x128xf32>
    %add3A = arith.addf %get3A_4, %get3A_7 : vector<2000x128xf32>
    %mul3A = arith.constant 0.0333333351 : f32
    %mul3A_8 = vector.broadcast %mul3A : f32 to vector<2000x128xf32>
    %mul3A_9 = arith.mulf %add3A, %mul3A_8 : vector<2000x128xf32>
    %add3A_10 = arith.addf %get3A_1, %mul3A_9 : vector<2000x128xf32>
    %reduce_sum3A = arith.constant dense<0.000000e+00> : vector<2000xf32>
    %reduce_sum3A_11 = vector.multi_reduction <add>, %add3A_10, %reduce_sum3A [1] : vector<2000x128xf32> to vector<2000xf32>
    %broadcast_in_dim3A = vector.shape_cast %reduce_sum3A_11 : vector<2000xf32> to vector<2000x1xf32>
    %div3A = arith.constant 1.280000e+02 : f32
    %div3A_12 = vector.broadcast %div3A : f32 to vector<2000x1xf32>
    %div3A_13 = arith.divf %broadcast_in_dim3A, %div3A_12 : vector<2000x1xf32>
    %sub3A = vector.broadcast %div3A_13 : vector<2000x1xf32> to vector<2000x128xf32>
    %sub3A_14 = arith.subf %add3A_10, %sub3A : vector<2000x128xf32>
    %mul3A_15 = arith.mulf %sub3A_14, %sub3A_14 : vector<2000x128xf32>
    %reduce_sum3A_16 = arith.constant dense<0.000000e+00> : vector<2000xf32>
    %reduce_sum3A_17 = vector.multi_reduction <add>, %mul3A_15, %reduce_sum3A_16 [1] : vector<2000x128xf32> to vector<2000xf32>
    %broadcast_in_dim3A_18 = vector.shape_cast %reduce_sum3A_17 : vector<2000xf32> to vector<2000x1xf32>
    %div3A_19 = arith.constant 1.280000e+02 : f32
    %div3A_20 = vector.broadcast %div3A_19 : f32 to vector<2000x1xf32>
    %div3A_21 = arith.divf %broadcast_in_dim3A_18, %div3A_20 : vector<2000x1xf32>
    %add3A_22 = arith.constant 9.99999974E-6 : f32
    %add3A_23 = vector.broadcast %add3A_22 : f32 to vector<2000x1xf32>
    %add3A_24 = arith.addf %div3A_21, %add3A_23 : vector<2000x1xf32>
    %rsqrt3A = math.rsqrt %add3A_24 : vector<2000x1xf32>
    %mul3A_25 = vector.broadcast %rsqrt3A : vector<2000x1xf32> to vector<2000x128xf32>
    %mul3A_26 = arith.mulf %sub3A_14, %mul3A_25 : vector<2000x128xf32>
    %get3A_27 = arith.constant 0 : index
    %get3A_28 = arith.constant 0 : index
    %get3A_29 = vector.load %arg8[%get3A_27, %get3A_28] : memref<1x128xf32, #tpu.memory_space<vmem>>, vector<1x128xf32>
    %mul3A_30 = vector.broadcast %get3A_29 : vector<1x128xf32> to vector<2000x128xf32>
    %mul3A_31 = arith.mulf %mul3A_26, %mul3A_30 : vector<2000x128xf32>
    %get3A_32 = arith.constant 0 : index
    %get3A_33 = arith.constant 0 : index
    %get3A_34 = vector.load %arg9[%get3A_32, %get3A_33] : memref<1x128xf32, #tpu.memory_space<vmem>>, vector<1x128xf32>
    %add3A_35 = vector.broadcast %get3A_34 : vector<1x128xf32> to vector<2000x128xf32>
    %add3A_36 = arith.addf %mul3A_31, %add3A_35 : vector<2000x128xf32>
    %get3A_37 = arith.constant 0 : index
    %get3A_38 = arith.constant 0 : index
    %get3A_39 = vector.load %arg4[%get3A_37, %get3A_38] : memref<128x128xf32, #tpu.memory_space<vmem>>, vector<128x128xf32>
    %dot_general3A = arith.constant dense<0.000000e+00> : vector<2000x128xf32>
    %dot_general3A_40 = tpu.matmul %add3A_36, %get3A_39, %dot_general3A {dimension_numbers = #tpu.dot_dimension_numbers<[1], [0], [0], [1], [0, 0, 1, 1], [], []>, transpose_lhs_hint = false} : vector<2000x128xf32>, vector<128x128xf32>, vector<2000x128xf32> -> vector<2000x128xf32>
    %get3A_41 = arith.constant 0 : index
    %get3A_42 = arith.constant 0 : index
    %get3A_43 = vector.load %arg5[%get3A_41, %get3A_42] : memref<1x128xf32, #tpu.memory_space<vmem>>, vector<1x128xf32>
    %add3A_44 = vector.broadcast %get3A_43 : vector<1x128xf32> to vector<2000x128xf32>
    %add3A_45 = arith.addf %dot_general3A_40, %add3A_44 : vector<2000x128xf32>
    %mul3A_46 = arith.constant 5.000000e-01 : f32
    %mul3A_47 = vector.broadcast %mul3A_46 : f32 to vector<2000x128xf32>
    %mul3A_48 = arith.mulf %add3A_45, %mul3A_47 : vector<2000x128xf32>
    %mul3A_49 = arith.constant 0.707106769 : f32
    %mul3A_50 = vector.broadcast %mul3A_49 : f32 to vector<2000x128xf32>
    %mul3A_51 = arith.mulf %add3A_45, %mul3A_50 : vector<2000x128xf32>
    %erf3A = math.erf %mul3A_51 : vector<2000x128xf32>
    %add3A_52 = arith.constant 1.000000e+00 : f32
    %add3A_53 = vector.broadcast %add3A_52 : f32 to vector<2000x128xf32>
    %add3A_54 = arith.addf %add3A_53, %erf3A : vector<2000x128xf32>
    %mul3A_55 = arith.mulf %mul3A_48, %add3A_54 : vector<2000x128xf32>
    %get3A_56 = arith.constant 0 : index
    %get3A_57 = arith.constant 0 : index
    %get3A_58 = vector.load %arg6[%get3A_56, %get3A_57] : memref<128x128xf32, #tpu.memory_space<vmem>>, vector<128x128xf32>
    %dot_general3A_59 = arith.constant dense<0.000000e+00> : vector<2000x128xf32>
    %dot_general3A_60 = tpu.matmul %mul3A_55, %get3A_58, %dot_general3A_59 {dimension_numbers = #tpu.dot_dimension_numbers<[1], [0], [0], [1], [0, 0, 1, 1], [], []>, transpose_lhs_hint = false} : vector<2000x128xf32>, vector<128x128xf32>, vector<2000x128xf32> -> vector<2000x128xf32>
    %add3A_61 = arith.addf %add3A_36, %dot_general3A_60 : vector<2000x128xf32>
    %get3A_62 = arith.constant 0 : index
    %get3A_63 = arith.constant 0 : index
    %get3A_64 = vector.load %arg7[%get3A_62, %get3A_63] : memref<1x128xf32, #tpu.memory_space<vmem>>, vector<1x128xf32>
    %add3A_65 = vector.broadcast %get3A_64 : vector<1x128xf32> to vector<2000x128xf32>
    %add3A_66 = arith.addf %add3A_61, %add3A_65 : vector<2000x128xf32>
    %reduce_sum3A_67 = arith.constant dense<0.000000e+00> : vector<2000xf32>
    %reduce_sum3A_68 = vector.multi_reduction <add>, %add3A_66, %reduce_sum3A_67 [1] : vector<2000x128xf32> to vector<2000xf32>
    %broadcast_in_dim3A_69 = vector.shape_cast %reduce_sum3A_68 : vector<2000xf32> to vector<2000x1xf32>
    %div3A_70 = arith.constant 1.280000e+02 : f32
    %div3A_71 = vector.broadcast %div3A_70 : f32 to vector<2000x1xf32>
    %div3A_72 = arith.divf %broadcast_in_dim3A_69, %div3A_71 : vector<2000x1xf32>
    %sub3A_73 = vector.broadcast %div3A_72 : vector<2000x1xf32> to vector<2000x128xf32>
    %sub3A_74 = arith.subf %add3A_66, %sub3A_73 : vector<2000x128xf32>
    %mul3A_75 = arith.mulf %sub3A_74, %sub3A_74 : vector<2000x128xf32>
    %reduce_sum3A_76 = arith.constant dense<0.000000e+00> : vector<2000xf32>
    %reduce_sum3A_77 = vector.multi_reduction <add>, %mul3A_75, %reduce_sum3A_76 [1] : vector<2000x128xf32> to vector<2000xf32>
    %broadcast_in_dim3A_78 = vector.shape_cast %reduce_sum3A_77 : vector<2000xf32> to vector<2000x1xf32>
    %div3A_79 = arith.constant 1.280000e+02 : f32
    %div3A_80 = vector.broadcast %div3A_79 : f32 to vector<2000x1xf32>
    %div3A_81 = arith.divf %broadcast_in_dim3A_78, %div3A_80 : vector<2000x1xf32>
    %add3A_82 = arith.constant 9.99999974E-6 : f32
    %add3A_83 = vector.broadcast %add3A_82 : f32 to vector<2000x1xf32>
    %add3A_84 = arith.addf %div3A_81, %add3A_83 : vector<2000x1xf32>
    %rsqrt3A_85 = math.rsqrt %add3A_84 : vector<2000x1xf32>
    %mul3A_86 = vector.broadcast %rsqrt3A_85 : vector<2000x1xf32> to vector<2000x128xf32>
    %mul3A_87 = arith.mulf %sub3A_74, %mul3A_86 : vector<2000x128xf32>
    %get3A_88 = arith.constant 0 : index
    %get3A_89 = arith.constant 0 : index
    %get3A_90 = vector.load %arg10[%get3A_88, %get3A_89] : memref<1x128xf32, #tpu.memory_space<vmem>>, vector<1x128xf32>
    %mul3A_91 = vector.broadcast %get3A_90 : vector<1x128xf32> to vector<2000x128xf32>
    %mul3A_92 = arith.mulf %mul3A_87, %mul3A_91 : vector<2000x128xf32>
    %get3A_93 = arith.constant 0 : index
    %get3A_94 = arith.constant 0 : index
    %get3A_95 = vector.load %arg11[%get3A_93, %get3A_94] : memref<1x128xf32, #tpu.memory_space<vmem>>, vector<1x128xf32>
    %add3A_96 = vector.broadcast %get3A_95 : vector<1x128xf32> to vector<2000x128xf32>
    %add3A_97 = arith.addf %mul3A_92, %add3A_96 : vector<2000x128xf32>
    %swap3A = arith.constant 0 : index
    %swap3A_98 = arith.constant 0 : index
    %swap3A_99 = vector.load %arg12[%swap3A, %swap3A_98] : memref<2000x128xf32, #tpu.memory_space<vmem>>, vector<2000x128xf32>
    tpu.vector_store %arg12[%swap3A, %swap3A_98], %add3A_97 {strides = array<i32>} : memref<2000x128xf32, #tpu.memory_space<vmem>>, vector<2000x128xf32>,
    return
  }
  func.func @transform_0(%arg0: i32) -> (i32, i32) {
    %c0_i32 = arith.constant 0 : i32
    %c0_i32_0 = arith.constant 0 : i32
    return %arg0, %c0_i32 : i32, i32
  }
  func.func @transform_1(%arg0: i32) -> (i32, i32) {
    %c0_i32 = arith.constant 0 : i32
    %c0_i32_0 = arith.constant 0 : i32
    return %arg0, %c0_i32 : i32, i32
  }
  func.func @transform_2(%arg0: i32) -> (i32, i32) {
    %c0_i32 = arith.constant 0 : i32
    %c0_i32_0 = arith.constant 0 : i32
    return %arg0, %c0_i32 : i32, i32
  }
  func.func @transform_3(%arg0: i32) -> (i32, i32) {
    %c0_i32 = arith.constant 0 : i32
    %c0_i32_0 = arith.constant 0 : i32
    %c0_i32_1 = arith.constant 0 : i32
    return %c0_i32, %c0_i32_0 : i32, i32
  }
  func.func @transform_4(%arg0: i32) -> (i32, i32) {
    %c0_i32 = arith.constant 0 : i32
    %c0_i32_0 = arith.constant 0 : i32
    %c0_i32_1 = arith.constant 0 : i32
    return %c0_i32, %c0_i32_0 : i32, i32
  }
  func.func @transform_5(%arg0: i32) -> (i32, i32) {
    %c0_i32 = arith.constant 0 : i32
    %c0_i32_0 = arith.constant 0 : i32
    %c0_i32_1 = arith.constant 0 : i32
    return %c0_i32, %c0_i32_0 : i32, i32
  }
  func.func @transform_6(%arg0: i32) -> (i32, i32) {
    %c0_i32 = arith.constant 0 : i32
    %c0_i32_0 = arith.constant 0 : i32
    %c0_i32_1 = arith.constant 0 : i32
    return %c0_i32, %c0_i32_0 : i32, i32
  }
  func.func @transform_7(%arg0: i32) -> (i32, i32) {
    %c0_i32 = arith.constant 0 : i32
    %c0_i32_0 = arith.constant 0 : i32
    %c0_i32_1 = arith.constant 0 : i32
    return %c0_i32, %c0_i32_0 : i32, i32
  }
  func.func @transform_8(%arg0: i32) -> (i32, i32) {
    %c0_i32 = arith.constant 0 : i32
    %c0_i32_0 = arith.constant 0 : i32
    %c0_i32_1 = arith.constant 0 : i32
    return %c0_i32, %c0_i32_0 : i32, i32
  }
  func.func @transform_9(%arg0: i32) -> (i32, i32) {
    %c0_i32 = arith.constant 0 : i32
    %c0_i32_0 = arith.constant 0 : i32
    %c0_i32_1 = arith.constant 0 : i32
    return %c0_i32, %c0_i32_0 : i32, i32
  }
  func.func @transform_10(%arg0: i32) -> (i32, i32) {
    %c0_i32 = arith.constant 0 : i32
    %c0_i32_0 = arith.constant 0 : i32
    %c0_i32_1 = arith.constant 0 : i32
    return %c0_i32, %c0_i32_0 : i32, i32
  }
  func.func @transform_11(%arg0: i32) -> (i32, i32) {
    %c0_i32 = arith.constant 0 : i32
    %c0_i32_0 = arith.constant 0 : i32
    return %arg0, %c0_i32 : i32, i32
  }
}

</mosaic_0001>

<sc_bundles>
// kernel: kernel.5.cloned.1.call-start
scs
__scs_entry_jumppad:
0x0: {  	(pc) =	sbr.rel $0x88, $3  }
0x1: {  	(tag) =	ssettag $0x0;
	lr =	simm.s32 $0x1  }
0x2: {  	[smem:$0x3F94] =	sst lr;
	_ =	strace $0xD0000000  }
0x3: {  	_ = 	snop  }
0x4: {  	_ = 	snop  }
0x5: {  	_ = 	snop  }
0x6: {  	_ = 	snop  }
0x7: {  	_ = 	snop  }
__scs_overlays_trampoline_lowered:
0x8: {  	[smem:$0x3FA3] =	sst s0  }
0x9: {  	[smem:$0x3FA4] =	sst s1  }
0xa: {  	[smem:$0x3FA5] =	sst s2  }
0xb: {  	[smem:$0x3FA6] =	sst s3  }
0xc: {  	[smem:$0x3FA7] =	sst s4  }
0xd: {  	[smem:$0x3FA8] =	sst s5  }
0xe: {  	[smem:$0x3FA9] =	sst s6  }
0xf: {  	[smem:$0x3FAA] =	sst s7  }
0x10: {  	[smem:$0x3FAB] =	sst s8  }
0x11: {  	[smem:$0x3FAC] =	sst s9;
	s0 =	simm.s32 @!p0 $0x0  }
0x12: {  	s1 =	sld [smem:$0x3F92];
	s0 =	simm.s32 @p0 $0x1  }
0x13: {  	[smem:$0x3FAD] =	sst s0;
	s0 =	simm.s32 @!p1 $0x0  }
0x14: {  	s2 =	sld [smem:$0x3F91];
	s0 =	simm.s32 @p1 $0x1  }
0x15: {  	[smem:$0x3FAE] =	sst s0;
	s0 =	simm.s32 @!p2 $0x0  }
0x16: {  	s3 =	sld [smem:$0x3FDB];
	s0 =	simm.s32 @p2 $0x1  }
0x17: {  	s4 =	simm.s32 $0x1BF5;
	[smem:$0x3FB0] =	sst s0  }
0x18: {  	s0 =	sld [smem:$0x3F93];
	_ =	swait.ge [sflag:s4], $0x0  }
0x19: {  	s7 =	sld [smem:$0x3F94]  }
0x1a: {  	s8 =	sadd.s32 $0xFFFFE003, lr  }
0x1b: {  	s9 =	sadd.s32 $0xFFFFFEF7, lr;
	s5 =	simm.s32 $0xFFFFFFFF;
	p2 =	slt.u32 s8, $0xFFFFF086  }
0x1c: {  	p1 =	slt.u32 s9, $0xF7A;
	s5 =	simm.s32 @!p2 $0x0  }
0x1d: {  	s5 =	simm.s32 @p1 $0x1;
	p0 =	seq.s32 s7, s2  }
0x1e: {  	s7 =	smul.u32 @!p0 $0xF7A, s2;
	p2 =	seq.s32 @!p0 s5, $0x0  }
0x1f: {  	s9 =	smul.u32 $0xF7A, s1;
	s8 =	simm.s32 @!p0 $0x1BF5;
	p2 =	por !p2, p0  }
0x20: {  	[sflag:s8] =	ssyncset.s32 @!p0 $0xFFFFF086;
	s6 =	sadd.s32 @!p0 s3, s7;
	s7 =	simm.s32 @!p0 $0x108  }
0x21: {  	s3 =	sadd.s32 s3, s9;
	s6 =	sadd.s32 @!p0 $0x88, s6;
	s7 =	simm.s32 @p2 $0x1082  }
0x22: {  	[simem:s7], [sflag:s8] =	dma.local @!p0 [hbm:s6], $0xF7A  }
0x23: {  	s9 =	sor.u32 $0xD0000000, s2;
	s6 =	simm.s32 $0x108;
	_ =	swait.ge @!p0 [sflag:s8], $0x0  }
0x24: {  	s3 =	sadd.s32 $0x88, s3;
	s6 =	simm.s32 @!p1 $0x1082;
	[sflag:s4] =	ssyncset.s32 $0xFFFFF086  }
0x25: {  	[simem:s6], [sflag:s4] =	dma.local [hbm:s3], $0xF7A  }
0x26: {  	[smem:$0x3F94] =	sst s1;
	(tag) =	ssettag s2;
	_ =	strace s9  }
0x27: {  	s1 =	sld [smem:$0x3FA4]  }
0x28: {  	s2 =	sld [smem:$0x3FA5]  }
0x29: {  	s4 =	sld [smem:$0x3FA7]  }
0x2a: {  	p0 =	seq.s32 s5, $0x0;
	s5 =	sld [smem:$0x3FA8]  }
0x2b: {  	s6 =	sld [smem:$0x3FA9]  }
0x2c: {  	s7 =	sld [smem:$0x3FAA]  }
0x2d: {  	s3 =	simm.s32 $0x108;
	s8 =	sld [smem:$0x3FAB]  }
0x2e: {  	s3 =	simm.s32 @!p0 $0x1082;
	s9 =	sld [smem:$0x3FAC]  }
0x2f: {  	lr =	sadd.s32 s0, s3;
	s0 =	sld [smem:$0x3FA3]  }
0x30: {  	s3 =	sld [smem:$0x3FA6]  }
0x31: {  	[smem:$0x3FAF] =	sst s10  }
0x32: {  	s10 =	sld [smem:$0x3FAD];
	_ =	sdelay $0x3  }
0x33: {  	p0 =	seq.s32 s10, $0x1;
	s10 =	sld [smem:$0x3FAF];
	_ =	sdelay $0x3  }
0x34: {  	[smem:$0x3FAF] =	sst s10  }
0x35: {  	s10 =	sld [smem:$0x3FAE];
	_ =	sdelay $0x3  }
0x36: {  	p1 =	seq.s32 s10, $0x1;
	s10 =	sld [smem:$0x3FAF];
	_ =	sdelay $0x3  }
0x37: {  	[smem:$0x3FAF] =	sst s10  }
0x38: {  	s10 =	sld [smem:$0x3FB0]  }
0x39: {  	_ = 	snop;
	(pc) =	sbr.ind lr, $3  }
0x3a: {  	_ = 	snop  }
0x3b: {  	_ = 	snop  }
0x3c: {  	p2 =	seq.s32 s10, $0x1;
	s10 =	sld [smem:$0x3FAF]  }
0x3d: {  	_ =	shalt  }
0x3e: {  	_ =	shalt  }
0x3f: {  	_ =	shalt  }
0x40: {  	_ =	shalt  }
0x41: {  	_ =	shalt  }
0x42: {  	_ =	shalt  }
0x43: {  	_ =	shalt  }
0x44: {  	_ =	shalt  }
0x45: {  	_ =	shalt  }
0x46: {  	_ =	shalt  }
0x47: {  	_ =	shalt  }
0x48: {  	_ =	shalt  }
0x49: {  	_ =	shalt  }
0x4a: {  	_ =	shalt  }
0x4b: {  	_ =	shalt  }
0x4c: {  	_ =	shalt  }
0x4d: {  	_ =	shalt  }
0x4e: {  	_ =	shalt  }
0x4f: {  	_ =	shalt  }
0x50: {  	_ =	shalt  }
0x51: {  	_ =	shalt  }
0x52: {  	_ =	shalt  }
0x53: {  	_ =	shalt  }
0x54: {  	_ =	shalt  }
0x55: {  	_ =	shalt  }
0x56: {  	_ =	shalt  }
0x57: {  	_ =	shalt  }
0x58: {  	_ =	shalt  }
0x59: {  	_ =	shalt  }
0x5a: {  	_ =	shalt  }
0x5b: {  	_ =	shalt  }
0x5c: {  	_ =	shalt  }
0x5d: {  	_ =	shalt  }
0x5e: {  	_ =	shalt  }
0x5f: {  	_ =	shalt  }
0x60: {  	_ =	shalt  }
0x61: {  	_ =	shalt  }
0x62: {  	_ =	shalt  }
0x63: {  	_ =	shalt  }
0x64: {  	_ =	shalt  }
0x65: {  	_ =	shalt  }
0x66: {  	_ =	shalt  }
0x67: {  	_ =	shalt  }
0x68: {  	_ =	shalt  }
0x69: {  	_ =	shalt  }
0x6a: {  	_ =	shalt  }
0x6b: {  	_ =	shalt  }
0x6c: {  	_ =	shalt  }
0x6d: {  	_ =	shalt  }
0x6e: {  	_ =	shalt  }
0x6f: {  	_ =	shalt  }
0x70: {  	_ =	shalt  }
0x71: {  	_ =	shalt  }
0x72: {  	_ =	shalt  }
0x73: {  	_ =	shalt  }
0x74: {  	_ =	shalt  }
0x75: {  	_ =	shalt  }
0x76: {  	_ =	shalt  }
0x77: {  	_ =	shalt  }
0x78: {  	_ =	shalt  }
0x79: {  	_ =	shalt  }
0x7a: {  	_ =	shalt  }
0x7b: {  	_ =	shalt  }
0x7c: {  	_ =	shalt  }
0x7d: {  	_ =	shalt  }
0x7e: {  	_ =	shalt  }
0x7f: {  	_ =	shalt  }
0x80: {  	_ =	shalt  }
0x81: {  	_ =	shalt  }
0x82: {  	_ =	shalt  }
0x83: {  	_ =	shalt  }
0x84: {  	_ =	shalt  }
0x85: {  	_ =	shalt  }
0x86: {  	_ =	shalt  }
0x87: {  	_ =	shalt  }
.Lfunc_end0:
.L_simem_size_0:
called_computation_lowered:
.L_overlay_start_0:
0x88: {  	s2 =	sld [smem:$0x3FD9]  }
0x89: {  	s3 =	sld [smem:$0x3FFE];
	_ =	sdelay $0x1  }
0x8a: {  	s1 =	srdreg.scid  }
0x8b: {  	s0 =	sand.u32 $0x1, s1  }
0x8c: {  	s17 =	sshll.u32 s0, $0xA;
	s2 =	sadd.s32 s3, s2  }
0x8d: {  	s2 =	sadd.s32 s2, s17  }
0x8e: {  	[smem:$0x3FBB] =	sst s2  }
0x8f: {  	_ = 	snop  }
0x90: {  	s2 =	sld [smem:$0x3FD0];
	(tm) =	ssettm $0x1  }
0x91: {  	s18 =	sld [smem:$0x3FFB];
	_ =	sdelay $0x3  }
0x92: {  	_ =	strace s18  }
0x93: {  	s3 =	sld [smem:$0x3FFC];
	_ =	sdelay $0x3  }
0x94: {  	_ =	strace s3  }
0x95: {  	s3 =	sld [smem:$0x3FFD];
	_ =	sdelay $0x3  }
0x96: {  	_ =	strace s3  }
0x97: {  	_ =	strace $0x8FFFFFFF  }
0x98: {  	s19 =	sld [smem:$0x3FDB];
	_ =	sdelay $0x1  }
0x99: {  	s4 =	simm.s32 $_scs_section_size  }
0x9a: {  	s5 =	simm.s32 $_size__tile_overlayer_lowered;
	s6 =	simm.s32 $_tile_overlayer_lowered  }
0x9b: {  	s22 =	simm.s32 $0x1BFF;
	s21 =	sshll.u32 s6, $0x1;
	s3 =	sadd.s32 s4, s19  }
0x9c: {  	s7 =	simm.s32 $0x0;
	s20 =	sshll.u32 s5, $0x1;
	s5 =	sadd.s32 s21, s3  }
0x9d: {  	[timem:s7], [sflag:s22] =	dma.local [hbm:s5], s20  }
0x9e: {  	_ =	swait.ge [sflag:s22], s20  }
0x9f: {  	s4 =	ssub.s32 $0x0, s20;
	[sflag:s22] =	ssyncset.done $0x0  }
0xa0: {  	[sflag:s22] =	ssyncadd.s32 s4;
	_ =	sdelay $0x1  }
0xa1: {  	s23 =	simm.s32 $0x1B8B  }
0xa2: {  	_ =	swait.ge [sflag:s23], $0x1  }
0xa3: {  	[sflag:s23] =	ssyncset.done $0x0  }
0xa4: {  	s25 =	simm.s32 $0x1B8E;
	s24 =	sld [smem:$0x3FFE];
	[sflag:s23] =	ssyncadd.s32 $0xFFFFFFFF  }
0xa5: {  	s26 =	simm.s32 $execute0_lowered;
	[smem:$0x3FD2] =	sst s25  }
0xa6: {  	s5 =	sshll.u32 s26, $0x1;
	_ =	strace $0x80000046;
	[dreg:$0x1] =	wrdreg $0xFFFFFFFF  }
0xa7: {  	s28 =	simm.s32 $_size_execute0_lowered;
	s3 =	sadd.s32 s3, s5;
	[dreg:$0x0] =	wrdreg $0x0  }
0xa8: {  	s5 =	sshll.u32 s28, $0x1;
	[dreg:$0x2] =	wrdreg s3  }
0xa9: {  	[dreg:$0x3] =	wrdreg s5  }
0xaa: {  	[dreg:$0x4] =	wrdreg $0xC0  }
0xab: {  	_ =	task [dreg:s7], $0x5FFFF  }
0xac: {  	[dreg:$0x1] =	wrdreg $0xFFFFFFFF  }
0xad: {  	[dreg:$0x0] =	wrdreg $0x60  }
0xae: {  	[dreg:$0x2] =	wrdreg s24  }
0xaf: {  	[dreg:$0x3] =	wrdreg s2  }
0xb0: {  	[dreg:$0x4] =	wrdreg $0xA2000  }
0xb1: {  	[dreg:$0x5] =	wrdreg $0x9  }
0xb2: {  	_ =	task.clear_ibuf [dreg:s7], $0x6FFFF;
	_ =	strace $0x90000046  }
0xb3: {  	s29 =	simm.s32 $0x9;
	_ =	strace $0x80000048  }
0xb4: {  	_ =	swait.ge [sflag:s29], $0x1  }
0xb5: {  	[sflag:s29] =	ssyncadd.s32 $0xFFFFFFFF  }
0xb6: {  	_ =	strace $0x90000048  }
0xb7: {  	_ =	sfence  }
0xb8: {  	s30 =	sld [smem:$0x0];
	_ =	sdelay $0x2  }
0xb9: {  	s31 =	sshll.u32 s1, $0xD;
	s1 =	sshrl.u32 s1, $0x2  }
0xba: {  	s3 =	sand.u32 $0x4000, s31;
	s1 =	sadd.s32 s1, s30  }
0xbb: {  	s0 =	sor.u32 s3, s0;
	s1 =	sshll.u32 s1, $0x11  }
0xbc: {  	s0 =	sor.u32 s1, s0  }
0xbd: {  	s0 =	sadd.s32 $0x8F2B, s0  }
0xbe: {  	[sflag:s0] =	ssyncadd.remote.s32 $0x1  }
0xbf: {  	_ =	sfence.sel $0xFFFF  }
0xc0: {  	[dreg:$0x0] =	wrdreg $0xFFFFFFFF;
	(pc) =	sbr.abs _section_cstart, $3  }
0xc1: {  	[dreg:$0x1] =	wrdreg $0xFFFFFFFF  }
0xc2: {  	_ =	task.clear_ibuf [dreg:s7], $0x2FFFF;
	_ =	strace $0x9FFFFFFF  }
0xc3: {  	(tm) =	ssettm $0x7FFFFFFF  }
tec
execute0_lowered:
.L_overlay_start_1:
0x0: {  	(tag) =	ssettag $0x1  }
0x1: {  	s1 =	rddreg [dreg:$0x0]  }
0x2: {  	s0 =	rddreg [dreg:$0x1]  }
0x3: {  	s2 =	rddreg [dreg:$0x2]  }
0x4: {  	s3 =	simm.s32 $0x0;
	s4 =	srdreg.scid;
	s13 =	stileid.u32  }
0x5: {  	s28 =	simm.s32 $0x4;
	s29 =	simm.s32 $0x8;
	s30 =	simm.s32 $0xB  }
0x6: {  	s31 =	simm.s32 $0xC;
	[smem:$0x7FF] =	sst s3;
	s11 =	smul.u32 $0x4E000, s13  }
0x7: {  	s4 =	sand.u32 $0x1, s4;
	s5 =	sshll.u32 s13, $0x1;
	s12 =	smul.u32 $0x13800, s13  }
0x8: {  	s7 =	sadd.s32 $0x1800, s1;
	s1 =	sadd.s32 $0x4E3800, s1;
	s17 =	smul.u32 $0x4E20, s13  }
0x9: {  	p0 =	seq.s32 s13, $0xF;
	s5 =	sor.u32 s4, s5;
	s14 =	smul.u32 $0x138800, s4  }
0xa: {  	_ =	strace $0x80000047;
	s6 =	ssub.s32 $0x2, s4;
	s9 =	smul.u32 $0x2710, s5  }
0xb: {  	s8 =	sshrl.u32 s6, $0x1;
	s5 =	smul.u32 $0x27100, s5;
	s22 =	sshrl.u32 s11, $0x2  }
0xc: {  	s6 =	ssub.s32 s6, s8;
	s12 =	sadd.s32 s12, s14;
	s18 =	sshrl.u32 s9, $0x3  }
0xd: {  	s10 =	sadd.s32 $0x50, s9;
	s5 =	sadd.s32 s7, s5;
	s23 =	sadd.s32 $0xA0, s9  }
0xe: {  	s25 =	sadd.s32 $0xF0, s9;
	[dreg:$0x4] =	wrdreg s5;
	s19 =	sadd.s32 s0, s18  }
0xf: {  	s20 =	sshll.u32 s10, $0x4;
	s21 =	sshrl.u32 s10, $0x3;
	s24 =	sshll.u32 s23, $0x4  }
0x10: {  	s26 =	sshll.u32 s25, $0x4;
	s10 =	sshrl.u32 s25, $0x3;
	s18 =	smul.u32 $0x2710, s4  }
0x11: {  	s4 =	smul.u32 $0x27100, s4;
	[dreg:$0x5] =	wrdreg s19;
	s5 =	sadd.s32 s7, s20  }
0x12: {  	s25 =	sshrl.u32 s14, $0x3;
	s8 =	sadd.s32 s7, s24;
	[dreg:$0x6] =	wrdreg s5  }
0x13: {  	s19 =	sadd.s32 s22, s2;
	s10 =	sadd.s32 s0, s10;
	[dreg:$0x9] =	wrdreg s8  }
0x14: {  	s5 =	sadd.s32 s0, s21;
	s8 =	sadd.s32 $0x140, s9;
	[dreg:$0xc] =	wrdreg s10  }
0x15: {  	s9 =	sadd.s32 $0x190, s9;
	s10 =	sadd.s32 s18, s17;
	s21 =	smul.u32 $0x4E200, s13  }
0x16: {  	s17 =	smax.u32 s6, $0x1;
	s6 =	simm.s32 $0xA080;
	[dreg:$0x8] =	wrdreg s19  }
0x17: {  	s13 =	simm.s32 $0x5;
	[dreg:$0x7] =	wrdreg s5;
	s5 =	sshrl.u32 s23, $0x3  }
0x18: {  	s15 =	sshll.u32 s8, $0x4;
	s20 =	sshll.u32 s9, $0x4;
	s9 =	sshrl.u32 s9, $0x3  }
0x19: {  	s23 =	sshrl.u32 s12, $0x3;
	s24 =	sadd.s32 $0x280, s10;
	s11 =	sadd.s32 $0x230, s10  }
0x1a: {  	s12 =	sadd.s32 $0x1E0, s10;
	[dreg:$0x18] =	wrdreg s17;
	s5 =	sadd.s32 s0, s5  }
0x1b: {  	s17 =	simm.s32 $0x6;
	s16 =	sadd.s32 s7, s15;
	[dreg:$0xa] =	wrdreg s5  }
0x1c: {  	s22 =	sadd.s32 s0, s9;
	s9 =	sadd.s32 $0x2D0, s10;
	[dreg:$0xd] =	wrdreg s16  }
0x1d: {  	s15 =	sadd.s32 $0x2800, s19;
	s10 =	simm.s32 $0x5000;
	[dreg:$0x10] =	wrdreg s22  }
0x1e: {  	s5 =	sadd.s32 s7, s26;
	s26 =	sshrl.u32 s24, $0x3;
	[dreg:$0x16] =	wrdreg s15  }
0x1f: {  	s22 =	sadd.s32 $0xA000, s19;
	s24 =	sadd.s32 $0xF000, s19;
	[dreg:$0xb] =	wrdreg s5  }
0x20: {  	s15 =	simm.s32 $0xA180;
	s5 =	sshrl.u32 s8, $0x3;
	[dreg:$0x1b] =	wrdreg s22  }
0x21: {  	s8 =	sadd.s32 s26, s0;
	[dreg:$0x1d] =	wrdreg s24;
	s26 =	sadd.s32 $0x136000, s2  }
0x22: {  	s24 =	simm.s32 $0x3;
	s5 =	sadd.s32 s0, s5;
	[dreg:$0x12] =	wrdreg s8  }
0x23: {  	[dreg:$0x1f] =	wrdreg s26;
	s26 =	simm.s32 $0xA;
	s8 =	simm.s32 $0x0  }
0x24: {  	[dreg:$0xe] =	wrdreg s5;
	s5 =	sadd.s32 s7, s20;
	s7 =	sadd.s32 s21, s7  }
0x25: {  	s20 =	sadd.s32 $0x5000, s19;
	s21 =	sadd.s32 $0x7800, s19;
	[dreg:$0xf] =	wrdreg s5  }
0x26: {  	s5 =	sadd.s32 s1, s23;
	s1 =	sadd.s32 s1, s25;
	s18 =	sadd.s32 s4, s7  }
0x27: {  	s4 =	sshrl.u32 s9, $0x3;
	s7 =	sshrl.u32 s12, $0x3;
	[dreg:$0x19] =	wrdreg s20  }
0x28: {  	[dreg:$0x1a] =	wrdreg s21;
	s23 =	sadd.s32 $0xC800, s19;
	s25 =	sadd.s32 $0x11800, s19  }
0x29: {  	s12 =	simm.s32 $0x1;
	[dreg:$0x11] =	wrdreg s5;
	s5 =	sshrl.u32 s11, $0x3  }
0x2a: {  	s4 =	sadd.s32 s4, s0;
	s16 =	sadd.s32 $0x24900, s1;
	[dreg:$0x1c] =	wrdreg s23  }
0x2b: {  	[dreg:$0x1e] =	wrdreg s25;
	s11 =	simm.s32 $0xA100;
	s23 =	simm.s32 $0x9  }
0x2c: {  	s25 =	simm.s32 $0x7;
	[dreg:$0x13] =	wrdreg s4;
	s14 =	sadd.s32 s5, s0  }
0x2d: {  	s0 =	sadd.s32 s7, s0;
	[dreg:$0x17] =	wrdreg s16;
	s4 =	simm.s32 $0xA000  }
0x2e: {  	s5 =	simm.s32 $0x2800;
	s7 =	simm.s32 $0x7800;
	[dreg:$0x14] =	wrdreg s14  }
0x2f: {  	v0 =	vimm.f32 $0.0e+00;
	s16 =	simm.s32 $0x2;
	[dreg:$0x15] =	wrdreg s0;
	s14 =	simm.s32 $0x50  }
.LBB2_1:
0x30: {  	[smem:$0x7FD] =	sst s8  }
0x31: {  	s0 =	rddreg [dreg:$0x4]  }
0x32: {  	[tilespmem:s3], [sflag:$0x1] =	stream.linear.gather [hbm4b:s0+s3], $0x2800, $0x38;
	[tilespmem:$0x1DA80] =	vst v63  }
0x33: {  	s20 =	rddreg [dreg:$0x5]  }
0x34: {  	[tilespmem:s4], [sflag:$0x5] =	stream.linear.gather [hbm4b:s20+s3], $0x50, $0x38;
	[tilespmem:$0x1DA80] =	vst v63  }
0x35: {  	s21 =	rddreg [dreg:$0x6]  }
0x36: {  	[tilespmem:s5], [sflag:$0x2] =	stream.linear.gather [hbm4b:s21+s3], $0x2800, $0x38;
	[tilespmem:$0x1DA80] =	vst v63  }
0x37: {  	s22 =	rddreg [dreg:$0x7];
	s1 =	simm.s32 $0x0;
	s8 =	simm.s32 $0x200  }
0x38: {  	[tilespmem:s6], [sflag:$0x6] =	stream.linear.gather [hbm4b:s22+s3], $0x50, $0x38;
	[tilespmem:$0x1DA80] =	vst v63  }
.LBB2_2:
0x39: {  	p1 =	sne.s32 s8, $0x9E00;
	[tilespmem:s1+$0x7870] =	vst v0  }
0x3a: {  	[tilespmem:s1+$0x7800] =	vst v0  }
0x3b: {  	[tilespmem:s1+$0x7810] =	vst v0  }
.Ltmp0:
0x3c: {  	[tilespmem:s1+$0x7820] =	vst v0;
	(pc) =	sbr.rel @p1 .LBB2_2-.Ltmp0, $4  }
0x3d: {  	[tilespmem:s1+$0x7830] =	vst v0  }
0x3e: {  	[tilespmem:s1+$0x7840] =	vst v0  }
0x3f: {  	[tilespmem:s1+$0x7850] =	vst v0  }
0x40: {  	[tilespmem:s1+$0x7860] =	vst v0;
	s1 =	sshra.s32 s8, $0x2;
	s8 =	sadd.s32 $0x200, s8  }
0x41: {  	[tilespmem:s1+$0x7870] =	vst v0  }
0x42: {  	[tilespmem:s1+$0x7800] =	vst v0  }
0x43: {  	[tilespmem:s1+$0x7810] =	vst v0  }
0x44: {  	[tilespmem:s1+$0x7820] =	vst v0  }
0x45: {  	[tilespmem:s1+$0x7830] =	vst v0  }
0x46: {  	[tilespmem:s1+$0x7840] =	vst v0  }
0x47: {  	[tilespmem:s1+$0x7850] =	vst v0  }
0x48: {  	[tilespmem:s1+$0x7860] =	vst v0  }
0x49: {  	[spmem:s19] =	stream.linear.scatter [tilespmem:s7], [sflag:$0xD], $0x2800, $0x38;
	[tilespmem:$0x1DA80] =	vst v63  }
0x4a: {  	s0 =	rddreg [dreg:$0x16]  }
0x4b: {  	[spmem:s0] =	stream.linear.scatter [tilespmem:s7], [sflag:$0xD], $0x2800, $0x38;
	[tilespmem:$0x1DA80] =	vst v63  }
0x4c: {  	s9 =	rddreg [dreg:$0x19]  }
0x4d: {  	[spmem:s9] =	stream.linear.scatter [tilespmem:s7], [sflag:$0xD], $0x2800, $0x38;
	[tilespmem:$0x1DA80] =	vst v63  }
0x4e: {  	s19 =	rddreg [dreg:$0x1a]  }
0x4f: {  	[spmem:s19] =	stream.linear.scatter [tilespmem:s7], [sflag:$0xD], $0x2800, $0x38;
	[tilespmem:$0x1DA80] =	vst v63  }
0x50: {  	s20 =	rddreg [dreg:$0x1b]  }
0x51: {  	[spmem:s20] =	stream.linear.scatter [tilespmem:s7], [sflag:$0xD], $0x2800, $0x38;
	[tilespmem:$0x1DA80] =	vst v63  }
0x52: {  	s21 =	rddreg [dreg:$0x1c]  }
0x53: {  	[spmem:s21] =	stream.linear.scatter [tilespmem:s7], [sflag:$0xD], $0x2800, $0x38;
	[tilespmem:$0x1DA80] =	vst v63  }
0x54: {  	s22 =	rddreg [dreg:$0x1d]  }
0x55: {  	[spmem:s22] =	stream.linear.scatter [tilespmem:s7], [sflag:$0xD], $0x2800, $0x38;
	[tilespmem:$0x1DA80] =	vst v63  }
0x56: {  	s1 =	simm.s32 @p0 $0x7800;
	s0 =	rddreg [dreg:$0x1f]  }
0x57: {  	[spmem:s0] =	stream.linear.scatter @p0 [tilespmem:s1], [sflag:$0xD], $0x2800, $0x38;
	[tilespmem:$0x1DA80] =	vst v63  }
0x58: {  	s1 =	simm.s32 @!p0 $0x7800;
	s0 =	rddreg [dreg:$0x1e]  }
0x59: {  	[spmem:s0] =	stream.linear.scatter @!p0 [tilespmem:s1], [sflag:$0xD], $0x2000, $0x38;
	[tilespmem:$0x1DA80] =	vst v63  }
0x5a: {  	s1 =	simm.s32 $0xD  }
0x5b: {  	_ =	swait.ge [sflag:s1], $0x2800  }
0x5c: {  	[sflag:s1] =	ssyncset.done $0x0  }
0x5d: {  	[sflag:s1] =	ssyncadd.s32 $0xFFFFD800  }
0x5e: {  	_ =	swait.ge [sflag:s1], $0x2800  }
0x5f: {  	[sflag:s1] =	ssyncset.done $0x0  }
0x60: {  	[sflag:s1] =	ssyncadd.s32 $0xFFFFD800  }
0x61: {  	_ =	swait.ge [sflag:s1], $0x2800  }
0x62: {  	[sflag:s1] =	ssyncset.done $0x0  }
0x63: {  	[sflag:s1] =	ssyncadd.s32 $0xFFFFD800  }
0x64: {  	_ =	swait.ge [sflag:s1], $0x2800  }
0x65: {  	[sflag:s1] =	ssyncset.done $0x0  }
0x66: {  	[sflag:s1] =	ssyncadd.s32 $0xFFFFD800  }
0x67: {  	_ =	swait.ge [sflag:s1], $0x2800  }
0x68: {  	[sflag:s1] =	ssyncset.done $0x0  }
0x69: {  	[sflag:s1] =	ssyncadd.s32 $0xFFFFD800  }
0x6a: {  	_ =	swait.ge [sflag:s1], $0x2800  }
0x6b: {  	[sflag:s1] =	ssyncset.done $0x0  }
0x6c: {  	[sflag:s1] =	ssyncadd.s32 $0xFFFFD800  }
0x6d: {  	_ =	swait.ge [sflag:s1], $0x2800  }
0x6e: {  	[sflag:s1] =	ssyncset.done $0x0  }
0x6f: {  	[sflag:s1] =	ssyncadd.s32 $0xFFFFD800;
	s1 =	simm.s32 @p0 $0xD  }
0x70: {  	_ =	swait.ge @p0 [sflag:s1], $0x2800  }
0x71: {  	[sflag:s1] =	ssyncset.done @p0 $0x0  }
0x72: {  	[sflag:s1] =	ssyncadd.s32 @p0 $0xFFFFD800;
	s1 =	simm.s32 @!p0 $0xD  }
0x73: {  	_ =	swait.ge @!p0 [sflag:s1], $0x2000  }
0x74: {  	[sflag:s1] =	ssyncset.done @!p0 $0x0  }
0x75: {  	[sflag:s1] =	ssyncadd.s32 @!p0 $0xFFFFE000  }
0x76: {  	[bflag:$0x0] =	sbarrier.arrive $0xFFFF  }
0x77: {  	s1 =	simm.s32 $0x0;
	s8 =	rddreg [dreg:$0x9]  }
0x78: {  	[tilespmem:s10], [sflag:$0x3] =	stream.linear.gather [hbm4b:s8+s1], $0x2800, $0x38;
	[tilespmem:$0x1DA80] =	vst v63  }
0x79: {  	s9 =	rddreg [dreg:$0xa]  }
0x7a: {  	[tilespmem:s11], [sflag:$0x7] =	stream.linear.gather [hbm4b:s9+s1], $0x50, $0x38;
	[tilespmem:$0x1DA80] =	vst v63  }
0x7b: {  	_ =	swait.ge [sflag:s12], $0x2800  }
0x7c: {  	[sflag:s12] =	ssyncset.done $0x0  }
0x7d: {  	[sflag:s12] =	ssyncadd.s32 $0xFFFFD800  }
0x7e: {  	_ =	swait.ge [sflag:s13], $0x50  }
0x7f: {  	[sflag:s13] =	ssyncset.done $0x0  }
0x80: {  	[sflag:s13] =	ssyncadd.s32 $0xFFFFFFB0  }
0x81: {  	[spmem:s2] =	stream.indirect.scatter.add.f32 [tilespmem:s1], [sflag:$0x9], $0x80, s4, s14, $0xb8;
	[tilespmem:$0x1DA80] =	vst v63  }
0x82: {  	s19 =	rddreg [dreg:$0xb]  }
0x83: {  	[tilespmem:s7], [sflag:$0x4] =	stream.linear.gather [hbm4b:s19+s1], $0x2800, $0x38;
	[tilespmem:$0x1DA80] =	vst v63  }
0x84: {  	s20 =	rddreg [dreg:$0xc]  }
0x85: {  	[tilespmem:s15], [sflag:$0x8] =	stream.linear.gather [hbm4b:s20+s1], $0x50, $0x38;
	[tilespmem:$0x1DA80] =	vst v63  }
0x86: {  	_ =	swait.ge [sflag:s16], $0x2800  }
0x87: {  	[sflag:s16] =	ssyncset.done $0x0  }
0x88: {  	[sflag:s16] =	ssyncadd.s32 $0xFFFFD800  }
0x89: {  	_ =	swait.ge [sflag:s17], $0x50  }
0x8a: {  	[sflag:s17] =	ssyncset.done $0x0  }
0x8b: {  	[sflag:s17] =	ssyncadd.s32 $0xFFFFFFB0  }
0x8c: {  	[spmem:s2] =	stream.indirect.scatter.add.f32 [tilespmem:s5], [sflag:$0xA], $0x80, s6, s14, $0xb8;
	[tilespmem:$0x1DA80] =	vst v63  }
0x8d: {  	_ =	swait.ge [sflag:s23], $0x2800  }
0x8e: {  	[sflag:s23] =	ssyncset.done $0x0  }
0x8f: {  	s21 =	rddreg [dreg:$0xd];
	[sflag:s23] =	ssyncadd.s32 $0xFFFFD800  }
0x90: {  	[tilespmem:s1], [sflag:$0x1] =	stream.linear.gather [hbm4b:s21+s1], $0x2800, $0x38;
	[tilespmem:$0x1DA80] =	vst v63  }
0x91: {  	s22 =	rddreg [dreg:$0xe]  }
0x92: {  	[tilespmem:s4], [sflag:$0x5] =	stream.linear.gather [hbm4b:s22+s1], $0x50, $0x38;
	[tilespmem:$0x1DA80] =	vst v63  }
0x93: {  	_ =	swait.ge [sflag:s24], $0x2800  }
0x94: {  	[sflag:s24] =	ssyncset.done $0x0  }
0x95: {  	[sflag:s24] =	ssyncadd.s32 $0xFFFFD800  }
0x96: {  	_ =	swait.ge [sflag:s25], $0x50  }
0x97: {  	[sflag:s25] =	ssyncset.done $0x0  }
0x98: {  	[sflag:s25] =	ssyncadd.s32 $0xFFFFFFB0  }
0x99: {  	[spmem:s2] =	stream.indirect.scatter.add.f32 [tilespmem:s10], [sflag:$0xB], $0x80, s11, s14, $0xb8;
	[tilespmem:$0x1DA80] =	vst v63  }
0x9a: {  	_ =	swait.ge [sflag:s26], $0x2800  }
0x9b: {  	[sflag:s26] =	ssyncset.done $0x0  }
0x9c: {  	s8 =	rddreg [dreg:$0xf];
	[sflag:s26] =	ssyncadd.s32 $0xFFFFD800  }
0x9d: {  	[tilespmem:s5], [sflag:$0x2] =	stream.linear.gather [hbm4b:s8+s1], $0x2800, $0x38;
	[tilespmem:$0x1DA80] =	vst v63  }
0x9e: {  	s9 =	rddreg [dreg:$0x10]  }
0x9f: {  	[tilespmem:s6], [sflag:$0x6] =	stream.linear.gather [hbm4b:s9+s1], $0x50, $0x38;
	[tilespmem:$0x1DA80] =	vst v63  }
0xa0: {  	_ =	swait.ge [sflag:s28], $0x2800  }
0xa1: {  	[sflag:s28] =	ssyncset.done $0x0  }
0xa2: {  	[sflag:s28] =	ssyncadd.s32 $0xFFFFD800  }
0xa3: {  	_ =	swait.ge [sflag:s29], $0x50  }
0xa4: {  	[sflag:s29] =	ssyncset.done $0x0  }
0xa5: {  	[sflag:s29] =	ssyncadd.s32 $0xFFFFFFB0  }
0xa6: {  	[spmem:s2] =	stream.indirect.scatter.add.f32 [tilespmem:s7], [sflag:$0xC], $0x80, s15, s14, $0xb8;
	[tilespmem:$0x1DA80] =	vst v63  }
0xa7: {  	_ =	swait.ge [sflag:s30], $0x2800  }
0xa8: {  	s19 =	sadd.s32 $0x0, s18;
	[sflag:s30] =	ssyncset.done $0x0  }
0xa9: {  	s8 =	sadd.s32 $0x1E00, s19;
	[sflag:s30] =	ssyncadd.s32 $0xFFFFD800  }
0xaa: {  	[tilespmem:s10], [sflag:$0x3] =	stream.linear.gather [hbm4b:s8+s3], $0x2800, $0x38;
	[tilespmem:$0x1DA80] =	vst v63  }
0xab: {  	s20 =	rddreg [dreg:$0x15]  }
0xac: {  	[tilespmem:s11], [sflag:$0x7] =	stream.linear.gather [hbm4b:s20+s3], $0x50, $0x38;
	[tilespmem:$0x1DA80] =	vst v63  }
0xad: {  	_ =	swait.ge [sflag:s12], $0x2800  }
0xae: {  	[sflag:s12] =	ssyncset.done $0x0  }
0xaf: {  	[sflag:s12] =	ssyncadd.s32 $0xFFFFD800  }
0xb0: {  	_ =	swait.ge [sflag:s13], $0x50  }
0xb1: {  	[sflag:s13] =	ssyncset.done $0x0  }
0xb2: {  	[sflag:s13] =	ssyncadd.s32 $0xFFFFFFB0  }
0xb3: {  	[spmem:s2] =	stream.indirect.scatter.add.f32 [tilespmem:s3], [sflag:$0x9], $0x80, s4, s14, $0xb8;
	[tilespmem:$0x1DA80] =	vst v63  }
0xb4: {  	_ =	swait.ge [sflag:s31], $0x2800  }
0xb5: {  	[sflag:s31] =	ssyncset.done $0x0  }
0xb6: {  	s21 =	sadd.s32 $0x2300, s19;
	[sflag:s31] =	ssyncadd.s32 $0xFFFFD800  }
0xb7: {  	[tilespmem:s7], [sflag:$0x4] =	stream.linear.gather [hbm4b:s21+s3], $0x2800, $0x38;
	[tilespmem:$0x1DA80] =	vst v63  }
0xb8: {  	s9 =	rddreg [dreg:$0x14]  }
0xb9: {  	[tilespmem:s15], [sflag:$0x8] =	stream.linear.gather [hbm4b:s9+s3], $0x50, $0x38;
	[tilespmem:$0x1DA80] =	vst v63  }
0xba: {  	_ =	swait.ge [sflag:s16], $0x2800  }
0xbb: {  	[sflag:s16] =	ssyncset.done $0x0  }
0xbc: {  	[sflag:s16] =	ssyncadd.s32 $0xFFFFD800  }
0xbd: {  	_ =	swait.ge [sflag:s17], $0x50  }
0xbe: {  	[sflag:s17] =	ssyncset.done $0x0  }
0xbf: {  	[sflag:s17] =	ssyncadd.s32 $0xFFFFFFB0  }
0xc0: {  	[spmem:s2] =	stream.indirect.scatter.add.f32 [tilespmem:s5], [sflag:$0xA], $0x80, s6, s14, $0xb8;
	[tilespmem:$0x1DA80] =	vst v63  }
0xc1: {  	_ =	swait.ge [sflag:s23], $0x2800  }
0xc2: {  	[sflag:s23] =	ssyncset.done $0x0  }
0xc3: {  	s1 =	sadd.s32 $0x2800, s19;
	[sflag:s23] =	ssyncadd.s32 $0xFFFFD800  }
0xc4: {  	[tilespmem:s3], [sflag:$0x1] =	stream.linear.gather [hbm4b:s1+s3], $0x2800, $0x38;
	[tilespmem:$0x1DA80] =	vst v63  }
0xc5: {  	s22 =	rddreg [dreg:$0x12]  }
0xc6: {  	[tilespmem:s4], [sflag:$0x5] =	stream.linear.gather [hbm4b:s22+s3], $0x50, $0x38;
	[tilespmem:$0x1DA80] =	vst v63  }
0xc7: {  	_ =	swait.ge [sflag:s24], $0x2800  }
0xc8: {  	[sflag:s24] =	ssyncset.done $0x0  }
0xc9: {  	[sflag:s24] =	ssyncadd.s32 $0xFFFFD800  }
0xca: {  	_ =	swait.ge [sflag:s25], $0x50  }
0xcb: {  	[sflag:s25] =	ssyncset.done $0x0  }
0xcc: {  	[sflag:s25] =	ssyncadd.s32 $0xFFFFFFB0  }
0xcd: {  	[spmem:s2] =	stream.indirect.scatter.add.f32 [tilespmem:s10], [sflag:$0xB], $0x80, s11, s14, $0xb8;
	[tilespmem:$0x1DA80] =	vst v63  }
0xce: {  	p1 =	por $0x0, $0x0;
	_ =	swait.ge [sflag:s26], $0x2800  }
0xcf: {  	s19 =	simm.s32 @!p1 $0x0;
	s1 =	sadd.s32 @!p1 $0x0, s18;
	[sflag:s26] =	ssyncset.done $0x0  }
0xd0: {  	s8 =	simm.s32 @!p1 $0x2800;
	s1 =	sadd.s32 @!p1 $0x2D00, s1;
	[sflag:s26] =	ssyncadd.s32 $0xFFFFD800  }
0xd1: {  	[tilespmem:s8], [sflag:$0x2] =	stream.linear.gather @!p1 [hbm4b:s1+s19], $0x2800, $0x38;
	[tilespmem:$0x1DA80] =	vst v63  }
0xd2: {  	s1 =	simm.s32 @!p1 $0xA080;
	s8 =	rddreg [dreg:$0x13]  }
0xd3: {  	[tilespmem:s1], [sflag:$0x6] =	stream.linear.gather @!p1 [hbm4b:s8+s19], $0x50, $0x38;
	[tilespmem:$0x1DA80] =	vst v63  }
0xd4: {  	_ =	swait.ge [sflag:s28], $0x2800  }
0xd5: {  	[sflag:s28] =	ssyncset.done $0x0  }
0xd6: {  	[sflag:s28] =	ssyncadd.s32 $0xFFFFD800  }
0xd7: {  	s20 =	sadd.s32 $0x28, s20;
	_ =	swait.ge [sflag:s29], $0x50  }
0xd8: {  	s21 =	sadd.s32 $0x28, s22;
	s22 =	sadd.s32 $0x28, s8;
	[sflag:s29] =	ssyncset.done $0x0  }
0xd9: {  	s1 =	simm.s32 $0x1400;
	s19 =	sadd.s32 $0x28, s9;
	[sflag:s29] =	ssyncadd.s32 $0xFFFFFFB0  }
.LBB2_4:
0xda: {  	[spmem:s2] =	stream.indirect.scatter.add.f32 [tilespmem:s7], [sflag:$0xC], $0x80, s15, s14, $0xb8;
	[tilespmem:$0x1DA80] =	vst v63  }
0xdb: {  	s8 =	smov.u32 s1;
	s1 =	sadd.s32 $0x1400, s1;
	_ =	swait.ge [sflag:s30], $0x2800  }
0xdc: {  	s0 =	sadd.s32 s8, s18;
	p1 =	sne.s32 s1, $0x25800;
	[sflag:s30] =	ssyncset.done $0x0  }
0xdd: {  	s9 =	sadd.s32 $0x1E00, s0;
	[sflag:s30] =	ssyncadd.s32 $0xFFFFD800  }
0xde: {  	[tilespmem:s10], [sflag:$0x3] =	stream.linear.gather [hbm4b:s9+s3], $0x2800, $0x38;
	[tilespmem:$0x1DA80] =	vst v63  }
0xdf: {  	_ = 	snop  }
0xe0: {  	[tilespmem:s11], [sflag:$0x7] =	stream.linear.gather [hbm4b:s20+s3], $0x50, $0x38;
	[tilespmem:$0x1DA80] =	vst v63  }
0xe1: {  	_ =	swait.ge [sflag:s12], $0x2800  }
0xe2: {  	[sflag:s12] =	ssyncset.done $0x0  }
0xe3: {  	[sflag:s12] =	ssyncadd.s32 $0xFFFFD800  }
0xe4: {  	_ =	swait.ge [sflag:s13], $0x50  }
0xe5: {  	[sflag:s13] =	ssyncset.done $0x0  }
0xe6: {  	[sflag:s13] =	ssyncadd.s32 $0xFFFFFFB0  }
0xe7: {  	[spmem:s2] =	stream.indirect.scatter.add.f32 [tilespmem:s3], [sflag:$0x9], $0x80, s4, s14, $0xb8;
	[tilespmem:$0x1DA80] =	vst v63  }
0xe8: {  	_ =	swait.ge [sflag:s31], $0x2800  }
0xe9: {  	[sflag:s31] =	ssyncset.done $0x0  }
0xea: {  	s9 =	sadd.s32 $0x2300, s0;
	[sflag:s31] =	ssyncadd.s32 $0xFFFFD800  }
0xeb: {  	[tilespmem:s7], [sflag:$0x4] =	stream.linear.gather [hbm4b:s9+s3], $0x2800, $0x38;
	[tilespmem:$0x1DA80] =	vst v63  }
0xec: {  	_ = 	snop  }
0xed: {  	[tilespmem:s15], [sflag:$0x8] =	stream.linear.gather [hbm4b:s19+s3], $0x50, $0x38;
	[tilespmem:$0x1DA80] =	vst v63  }
0xee: {  	_ =	swait.ge [sflag:s16], $0x2800  }
0xef: {  	[sflag:s16] =	ssyncset.done $0x0  }
0xf0: {  	[sflag:s16] =	ssyncadd.s32 $0xFFFFD800  }
0xf1: {  	_ =	swait.ge [sflag:s17], $0x50  }
0xf2: {  	[sflag:s17] =	ssyncset.done $0x0  }
0xf3: {  	[sflag:s17] =	ssyncadd.s32 $0xFFFFFFB0  }
0xf4: {  	[spmem:s2] =	stream.indirect.scatter.add.f32 [tilespmem:s5], [sflag:$0xA], $0x80, s6, s14, $0xb8;
	[tilespmem:$0x1DA80] =	vst v63  }
0xf5: {  	_ =	swait.ge [sflag:s23], $0x2800  }
0xf6: {  	[sflag:s23] =	ssyncset.done $0x0  }
0xf7: {  	s0 =	sadd.s32 $0x2800, s0;
	[sflag:s23] =	ssyncadd.s32 $0xFFFFD800  }
0xf8: {  	[tilespmem:s3], [sflag:$0x1] =	stream.linear.gather [hbm4b:s0+s3], $0x2800, $0x38;
	[tilespmem:$0x1DA80] =	vst v63  }
0xf9: {  	_ = 	snop  }
0xfa: {  	[tilespmem:s4], [sflag:$0x5] =	stream.linear.gather [hbm4b:s21+s3], $0x50, $0x38;
	[tilespmem:$0x1DA80] =	vst v63  }
0xfb: {  	_ =	swait.ge [sflag:s24], $0x2800  }
0xfc: {  	[sflag:s24] =	ssyncset.done $0x0  }
0xfd: {  	[sflag:s24] =	ssyncadd.s32 $0xFFFFD800  }
0xfe: {  	_ =	swait.ge [sflag:s25], $0x50  }
0xff: {  	[sflag:s25] =	ssyncset.done $0x0  }
0x100: {  	[sflag:s25] =	ssyncadd.s32 $0xFFFFFFB0  }
0x101: {  	[spmem:s2] =	stream.indirect.scatter.add.f32 [tilespmem:s10], [sflag:$0xB], $0x80, s11, s14, $0xb8;
	[tilespmem:$0x1DA80] =	vst v63  }
0x102: {  	p2 =	seq.s32 s8, $0x24400;
	_ =	swait.ge [sflag:s26], $0x2800  }
0x103: {  	s0 =	sadd.s32 @!p2 s8, s18;
	s8 =	simm.s32 @!p2 $0x2800;
	[sflag:s26] =	ssyncset.done $0x0  }
0x104: {  	s9 =	simm.s32 @!p2 $0x0;
	s0 =	sadd.s32 @!p2 $0x2D00, s0;
	[sflag:s26] =	ssyncadd.s32 $0xFFFFD800  }
0x105: {  	[tilespmem:s8], [sflag:$0x2] =	stream.linear.gather @!p2 [hbm4b:s0+s9], $0x2800, $0x38;
	[tilespmem:$0x1DA80] =	vst v63  }
0x106: {  	s0 =	simm.s32 @!p2 $0xA080  }
0x107: {  	[tilespmem:s0], [sflag:$0x6] =	stream.linear.gather @!p2 [hbm4b:s22+s9], $0x50, $0x38;
	[tilespmem:$0x1DA80] =	vst v63  }
0x108: {  	_ =	swait.ge [sflag:s28], $0x2800  }
.Ltmp1:
0x109: {  	[sflag:s28] =	ssyncset.done $0x0;
	(pc) =	sbr.rel @p1 .LBB2_4-.Ltmp1, $4  }
0x10a: {  	[sflag:s28] =	ssyncadd.s32 $0xFFFFD800  }
0x10b: {  	_ =	swait.ge [sflag:s29], $0x50  }
0x10c: {  	s20 =	sadd.s32 $0x28, s20;
	s19 =	sadd.s32 $0x28, s19;
	[sflag:s29] =	ssyncset.done $0x0  }
0x10d: {  	s21 =	sadd.s32 $0x28, s21;
	s22 =	sadd.s32 $0x28, s22;
	[sflag:s29] =	ssyncadd.s32 $0xFFFFFFB0  }
0x10e: {  	[spmem:s2] =	stream.indirect.scatter.add.f32 [tilespmem:s7], [sflag:$0xC], $0x80, s15, s14, $0xb8;
	[tilespmem:$0x1DA80] =	vst v63  }
0x10f: {  	_ =	swait.ge [sflag:s30], $0x2800  }
0x110: {  	[sflag:s30] =	ssyncset.done $0x0  }
0x111: {  	[sflag:s30] =	ssyncadd.s32 $0xFFFFD800  }
0x112: {  	_ =	swait.ge [sflag:s12], $0x2800  }
0x113: {  	[sflag:s12] =	ssyncset.done $0x0  }
0x114: {  	[sflag:s12] =	ssyncadd.s32 $0xFFFFD800  }
0x115: {  	_ =	swait.ge [sflag:s13], $0x50  }
0x116: {  	[sflag:s13] =	ssyncset.done $0x0  }
0x117: {  	[sflag:s13] =	ssyncadd.s32 $0xFFFFFFB0  }
0x118: {  	[spmem:s2] =	stream.indirect.scatter.add.f32 [tilespmem:s3], [sflag:$0x9], $0x80, s4, s14, $0xb8;
	[tilespmem:$0x1DA80] =	vst v63  }
0x119: {  	_ =	swait.ge [sflag:s31], $0x2800  }
0x11a: {  	[sflag:s31] =	ssyncset.done $0x0  }
0x11b: {  	[sflag:s31] =	ssyncadd.s32 $0xFFFFD800  }
0x11c: {  	_ =	swait.ge [sflag:s23], $0x2800  }
0x11d: {  	[sflag:s23] =	ssyncset.done $0x0  }
0x11e: {  	[sflag:s23] =	ssyncadd.s32 $0xFFFFD800  }
0x11f: {  	[bflag:$0x0] =	sbarrier.arrive $0xFFFF  }
0x120: {  	s19 =	rddreg [dreg:$0x8]  }
0x121: {  	s1 =	simm.s32 @p0 $0x1FCE;
	s8 =	rddreg [dreg:$0x17];
	s0 =	sshrl.u32 @p0 s19, $0x3  }
0x122: {  	[hbm:s8], [sflag:s1] =	dma.local @p0 [spmem:s0], $0x2800  }
0x123: {  	s0 =	simm.s32 @p0 $0xE  }
0x124: {  	s1 =	stileid.u32;
	_ =	swait.ge @p0 [sflag:s0], $0x2800  }
0x125: {  	s1 =	sshll.u32 @!p0 s1, $0x6;
	[sflag:s0] =	ssyncset.done @p0 $0x0;
	s8 =	rddreg [dreg:$0x11]  }
0x126: {  	[sflag:s0] =	ssyncadd.s32 @p0 $0xFFFFD800;
	s0 =	sor.u32 @!p0 $0x1C0E, s1;
	s1 =	sshrl.u32 @!p0 s19, $0x3  }
0x127: {  	[hbm:s8], [sflag:s0] =	dma.local @!p0 [spmem:s1], $0x2700  }
0x128: {  	s0 =	simm.s32 @!p0 $0xE  }
0x129: {  	_ =	swait.ge @!p0 [sflag:s0], $0x2700  }
0x12a: {  	s21 =	sld [smem:$0x7FD];
	_ =	sdelay $0x2  }
0x12b: {  	s22 =	rddreg [dreg:$0x18];
	s8 =	sadd.s32 $0x1, s21  }
0x12c: {  	p1 =	sne.s32 s8, s22  }
.Ltmp2:
0x12d: {  	_ = 	snop;
	(pc) =	sbr.rel @p1 .LBB2_1-.Ltmp2, $3  }
0x12e: {  	_ =	sdelay $0x1  }
0x12f: {  	[sflag:s0] =	ssyncset.done @!p0 $0x0  }
0x130: {  	[sflag:s0] =	ssyncadd.s32 @!p0 $0xFFFFD900  }
0x131: {  	_ =	sfence.sel $0x180000  }
0x132: {  	[bflag:$0x0] =	sbarrier.arrive $0xFFFF  }
0x133: {  	_ =	strace $0x90000047  }
0x134: {  	s0 =	stileid.u32;
	[bflag:$0x2] =	sbarrier.arrive $0xFFFF  }
0x135: {  	p0 =	sne.s32 s0, $0x0;
	s0 =	rddreg [dreg:$0x3]  }
0x136: {  	s0 =	sadd.s32 @!p0 $0x100000, s0  }
0x137: {  	[sflag:s0] =	ssyncadd.tile.s32 @!p0 $0x1;
	_ =	shalt  }
.Lfunc_end2:
_tile_overlayer_lowered:
.L_overlay_start_2:
0x138: {  	(tag) =	ssettag $0x2  }
0x139: {  	s0 =	rddreg [dreg:$0x0];
	s2 =	stileid.u32  }
0x13a: {  	s1 =	rddreg [dreg:$0x1];
	p0 =	sne.s32 s2, $0x0  }
0x13b: {  	s3 =	rddreg [dreg:$0x2];
	[bflag:$0x3] =	sbarrier.arrive $0xFFFF;
	s2 =	simm.s32 @!p0 $0x1C0E  }
0x13c: {  	[timem:s3], [sflag:s2] =	dma.local @!p0 [hbm:s0], s1  }
0x13d: {  	s0 =	simm.s32 @!p0 $0xE  }
0x13e: {  	_ =	swait.ge @!p0 [sflag:s0], s1  }
0x13f: {  	s1 =	ssub.s32 @!p0 $0x0, s1;
	[sflag:s0] =	ssyncset.done @!p0 $0x0  }
0x140: {  	[sflag:s0] =	ssyncadd.s32 @!p0 s1  }
0x141: {  	[bflag:$0x3] =	sbarrier.arrive $0xFFFF  }
0x142: {  	_ =	shalt  }

</sc_bundles>
